<compile_context>
chip_gen: v7x
topology: tpu7x:2x2x1
jax: 0.10.2.dev20260603
libtpu: 0.0.44.dev20260713+nightly
codegen_flags: <defaults>
</compile_context>

<pallas_src>
import functools

import jax
import jax.numpy as jnp
from jax import lax
from jax.experimental import pallas as pl
from jax.experimental.pallas import tpu as pltpu
from jax.experimental.pallas import tpu_sc as plsc

_NC = 2
_NS = 16
_NW = _NC * _NS
_L = 16

_ROWS = 48
_ROW = 512 * 512
_TOTAL = _ROWS * _ROW
_CHUNK = 8192
_CHUNKS_PER_W = _TOTAL // _NW // _CHUNK
_PER_W = _TOTAL // _NW
_HIST = 2 * 2 * _L * 256
_OUT = 2 * _NW * 2 * 256


def _sc_body(h1_hbm, h2_hbm, out_hbm, buf, hist, stage, sem0, sem1):
    wid = lax.axis_index("s") * _NC + lax.axis_index("c")
    base_w = wid * _PER_W
    sems = (sem0, sem1)
    lane_vec = lax.iota(jnp.int32, _L) * 256
    ones = jnp.full((_L,), 1.0, jnp.float32)
    zeros = jnp.zeros((_L,), jnp.float32)

    @plsc.parallel_loop(0, _HIST, _L, unroll=4)
    def _(i):
        hist[pl.ds(i, _L)] = zeros

    def issue(j, slot):
        row0 = pl.multiple_of((base_w + j * _CHUNK) // 512, _CHUNK // 512)
        pltpu.async_copy(h1_hbm.at[pl.ds(row0, _CHUNK // 512)], buf.at[0, slot],
                         sems[slot])
        pltpu.async_copy(h2_hbm.at[pl.ds(row0, _CHUNK // 512)], buf.at[1, slot],
                         sems[slot])

    def wait(slot):
        pltpu.make_async_copy(
            h1_hbm.at[pl.ds(0, _CHUNK // 512)], buf.at[0, slot], sems[slot]).wait()
        pltpu.make_async_copy(
            h2_hbm.at[pl.ds(0, _CHUNK // 512)], buf.at[1, slot], sems[slot]).wait()

    def process(j, slot):
        cpr = _ROW // _CHUNK
        l = (j + (cpr // 2) * (wid % 2)) // cpr
        for a in (0, 1):
            base_vec = lane_vec + a * (2 * _L * 256) + l * (_L * 256)

            @plsc.parallel_loop(0, _CHUNK // _L, 1, unroll=16)
            def _(i):
                v = buf[a, slot, i >> 5, pl.ds((i & 31) * _L, _L)]
                b = (v * 255.0).astype(jnp.int32)
                bu = jnp.minimum(plsc.bitcast(b, jnp.uint32), jnp.uint32(255))
                plsc.addupdate_scatter(
                    hist, [plsc.bitcast(bu, jnp.int32) + base_vec], ones)

    issue(jnp.int32(0), 0)

    def jbody(jj, c):
        j0 = jj * 2
        issue(j0 + 1, 1)
        wait(0)
        process(j0, 0)

        @pl.when(j0 + 2 < _CHUNKS_PER_W)
        def _():
            issue(j0 + 2, 0)

        wait(1)
        process(j0 + 1, 1)
        return c

    lax.fori_loop(0, _CHUNKS_PER_W // 2, jbody, 0)

    for a in (0, 1):
        for l in (0, 1):
            base = a * (2 * _L * 256) + l * (_L * 256)

            def gbody(g, c, base=base, a=a, l=l):
                off = g * _L
                acc = hist[pl.ds(base + off, _L)]
                for lane in range(1, _L):
                    acc = acc + hist[pl.ds(base + lane * 256 + off, _L)]
                stage[pl.ds((a * 2 + l) * 256 + off, _L)] = acc
                return c

            lax.fori_loop(0, 256 // _L, gbody, 0)

    for a in (0, 1):
        for l in (0, 1):
            dst_off = pl.multiple_of(a * (_NW * 2 * 256) + wid * 512 + l * 256, 256)
            pltpu.sync_copy(stage.at[pl.ds((a * 2 + l) * 256, 256)],
                            out_hbm.at[pl.ds(dst_off, 256)])


@functools.cache
def _sc_hist():
    return pl.kernel(
        _sc_body,
        out_type=jax.ShapeDtypeStruct((_OUT,), jnp.float32),
        mesh=plsc.VectorSubcoreMesh(
            core_axis_name="c", subcore_axis_name="s",
            num_cores=_NC, num_subcores=_NS),
        compiler_params=pltpu.CompilerParams(
            needs_layout_passes=False, use_tc_tiling_on_sc=True),
        scratch_types=[
            pltpu.VMEM((2, 2, _CHUNK // 512, 512), jnp.float32),
            pltpu.VMEM((_HIST,), jnp.float32),
            pltpu.VMEM((2 * 2 * 256,), jnp.float32),
            pltpu.SemaphoreType.DMA,
            pltpu.SemaphoreType.DMA,
        ],
    )


def _chi_body(s10, s11, s12, s13, s20, s21, s22, s23, out_ref):
    bias = 1e-10

    def f(c1, c2):
        h1 = c1 / 786432.0
        h2 = c2 / 786432.0
        d = h1 - h2
        return d * d / (h1 + h2 + bias)

    t10 = s10[...]
    t11 = s11[...] + s12[...]
    t12 = s13[...]
    t20 = s20[...]
    t21 = s21[...] + s22[...]
    t22 = s23[...]
    acc = f(t10, t20) + f(t11, t21) + f(t12, t22)
    out_ref[0, 0] = jnp.sum(acc) / 16.0


def kernel(hist1, hist2):
    counts = _sc_hist()(hist1.reshape(-1, 512), hist2.reshape(-1, 512))
    s = counts.reshape(2, 16, 4, 256)
    out = pl.pallas_call(
        _chi_body,
        out_shape=jax.ShapeDtypeStruct((1, 1), jnp.float32),
        out_specs=pl.BlockSpec(memory_space=pltpu.SMEM),
    )(s[0, :, 0], s[0, :, 1], s[0, :, 2], s[0, :, 3],
      s[1, :, 0], s[1, :, 1], s[1, :, 2], s[1, :, 3])
    return out[0, 0]

# --- scband reference (transcript-rebuilt; emitter-appended) ---
"""Pipeline reference for scband-chi-square-loss-17884243821445 (READ-ONLY COPY).

The authoritative reference and input builder live on the scoring server;
editing this copy changes nothing except your own understanding.
"""

import jax, jax.numpy as jnp
import numpy as np


def setup_inputs(seed: int = 0) -> dict:
    key = jax.random.key(seed)
    k1, k2 = jax.random.split(key)
    hist1 = jax.random.uniform(k1, (16, 3, 512, 512), dtype=jnp.float32)
    hist2 = jax.random.uniform(k2, (16, 3, 512, 512), dtype=jnp.float32)
    return {"hist1": hist1, "hist2": hist2}


def _histc(x):
    # torch.histc(x, bins=256, min=0, max=256): bin width = 1.0
    # values here lie in [0, 255], so none are out of range; value==256 would go to last bin
    flat = x.reshape(-1)
    idx = jax.lax.stop_gradient(jnp.clip(jnp.floor(flat), 0, 255).astype(jnp.int32))
    return jnp.zeros(256, dtype=flat.dtype).at[idx].add(jnp.ones_like(flat))


def reference(hist1, hist2):
    bias = 1e-10
    B = hist1.shape[0]
    x1 = (hist1 * 255.0).reshape(B * 3, -1)
    x2 = (hist2 * 255.0).reshape(B * 3, -1)
    h1 = jax.vmap(_histc)(x1).reshape(B, 3 * 256)
    h2 = jax.vmap(_histc)(x2).reshape(B, 3 * 256)
    h1 = h1 / jnp.sum(h1, axis=1, keepdims=True)
    h2 = h2 / jnp.sum(h2, axis=1, keepdims=True)
    chi = jnp.sum((h1 - h2) ** 2 / (h1 + h2 + bias), axis=1)
    return jnp.mean(chi)

if __name__ == "__main__":
    import jax
    _d = setup_inputs()
    print(jax.jit(kernel)(*tuple(_d.values())))

</pallas_src>

<mosaic_0001>
#map = affine_map<(d0, d1) -> (0, 0)>
#map1 = affine_map<(d0, d1) -> (0)>
module attributes {stable_mosaic.version = 14 : i64} {
  func.func @_sc_body(%arg0: i32, %arg1: i32, %arg2: memref<24576x512xf32, #tpu.memory_space<hbm>>, %arg3: memref<24576x512xf32, #tpu.memory_space<hbm>>, %arg4: memref<32768xf32, #tpu.memory_space<hbm>>, %arg5: memref<2x2x16x512xf32, #tpu.memory_space<vmem>>, %arg6: memref<16384xf32, #tpu.memory_space<vmem>>, %arg7: memref<1024xf32, #tpu.memory_space<vmem>>, %arg8: memref<!tpu.dma_semaphore, #tpu.memory_space<semaphore_mem>>, %arg9: memref<!tpu.dma_semaphore, #tpu.memory_space<semaphore_mem>>) attributes {dimension_semantics = [#tpu.dimension_semantics<core_parallel>, #tpu.dimension_semantics<subcore_parallel>], iteration_bounds = array<i64: 2, 16>, scalar_prefetch = 0 : i64, scratch_operands = 5 : i64, tpu.core_type = #tpu.core_type<sc_vector_subcore>, window_params = [{transform_indices = #map}, {transform_indices = #map}, {transform_indices = #map1}]} {
    %mul3A = arith.constant 2 : i32
    %mul3A_0 = arith.muli %arg1, %mul3A : i32
    %add3A = arith.addi %mul3A_0, %arg0 : i32
    %mul3A_1 = arith.constant 393216 : i32
    %mul3A_2 = arith.muli %add3A, %mul3A_1 : i32
    %iota3A = tpu.iota {dimensions = array<i32: 0>} : vector<16xi32>
    %mul3A_3 = arith.constant 256 : i32
    %mul3A_4 = vector.broadcast %mul3A_3 : i32 to vector<16xi32>
    %mul3A_5 = arith.muli %iota3A, %mul3A_4 : vector<16xi32>
    %broadcast_in_dim3A = arith.constant 1.000000e+00 : f32
    %broadcast_in_dim3A_6 = vector.broadcast %broadcast_in_dim3A : f32 to vector<16xf32>
    %broadcast_in_dim3A_7 = arith.constant 0.000000e+00 : f32
    %broadcast_in_dim3A_8 = vector.broadcast %broadcast_in_dim3A_7 : f32 to vector<16xf32>
    %parallel_loop3A = arith.constant 0 : i32
    %parallel_loop3A_9 = arith.constant 16384 : i32
    %parallel_loop3A_10 = arith.constant 16 : i32
    scf.for %parallel_loop3A_115 = %parallel_loop3A to %parallel_loop3A_9 step %parallel_loop3A_10  : i32 {
      %parallel_loop3A_116 = arith.index_cast %parallel_loop3A_115 : i32 to index
      %parallel_loop3A_117 = tpu.vector_load %arg6[%parallel_loop3A_116] {strides = array<i32>} : memref<16384xf32, #tpu.memory_space<vmem>>, vector<16xf32>,
      tpu.vector_store %arg6[%parallel_loop3A_116], %broadcast_in_dim3A_8 {strides = array<i32>} : memref<16384xf32, #tpu.memory_space<vmem>>, vector<16xf32>,
    } {sc.loop_unroll_factor = 4 : i64, sc.parallel_access}
    %mul3A_11 = arith.constant 0 : i32
    %mul3A_12 = arith.constant 8192 : i32
    %mul3A_13 = arith.muli %mul3A_11, %mul3A_12 : i32
    %add3A_14 = arith.addi %mul3A_2, %mul3A_13 : i32
    %jit3A = arith.constant 512 : i32
    %div3A = arith.divsi %add3A_14, %jit3A : i32
    %sign3A = arith.constant 0 : i32
    %sign3A_15 = arith.cmpi sgt, %add3A_14, %sign3A : i32
    %sign3A_16 = arith.extui %sign3A_15 : i1 to i32
    %sign3A_17 = arith.constant 0 : i32
    %sign3A_18 = arith.cmpi slt, %add3A_14, %sign3A_17 : i32
    %sign3A_19 = arith.extui %sign3A_18 : i1 to i32
    %sign3A_20 = arith.subi %sign3A_16, %sign3A_19 : i32
    %sign3A_21 = arith.constant 0 : i32
    %sign3A_22 = arith.cmpi sgt, %jit3A, %sign3A_21 : i32
    %sign3A_23 = arith.extui %sign3A_22 : i1 to i32
    %sign3A_24 = arith.constant 0 : i32
    %sign3A_25 = arith.cmpi slt, %jit3A, %sign3A_24 : i32
    %sign3A_26 = arith.extui %sign3A_25 : i1 to i32
    %sign3A_27 = arith.subi %sign3A_23, %sign3A_26 : i32
    %ne3A = arith.cmpi ne, %sign3A_20, %sign3A_27 : i32
    %rem3A = arith.remsi %add3A_14, %jit3A : i32
    %ne3A_28 = arith.constant 0 : i32
    %ne3A_29 = arith.cmpi ne, %rem3A, %ne3A_28 : i32
    %and3A = arith.andi %ne3A, %ne3A_29 : i1
    %sub3A = arith.constant 1 : i32
    %sub3A_30 = arith.subi %div3A, %sub3A : i32
    %select_n3A = arith.select %and3A, %sub3A_30, %div3A : i32
    %multiple_of3A = tpu.assume_multiple %select_n3A, 16 : i32
    %dma_start3A = arith.constant 0 : i32
    %dma_start3A_31 = arith.constant 0 : i32
    %dma_start3A_32 = arith.constant 0 : i32
    %dma_start3A_33 = arith.constant 0 : i32
    %dma_start3A_34 = tpu.memref_slice %arg5[%dma_start3A, %dma_start3A_31, %dma_start3A_32, %dma_start3A_33] : memref<2x2x16x512xf32, #tpu.memory_space<vmem>> -> memref<1x1x16x512xf32, #tpu.memory_space<vmem>>
    %dma_start3A_35 = tpu.memref_squeeze %dma_start3A_34 : memref<1x1x16x512xf32, #tpu.memory_space<vmem>> -> memref<16x512xf32, #tpu.memory_space<vmem>>
    %dma_start3A_36 = arith.constant 0 : i32
    %dma_start3A_37 = tpu.memref_slice %arg2[%multiple_of3A, %dma_start3A_36] : memref<24576x512xf32, #tpu.memory_space<hbm>> -> memref<16x512xf32, #tpu.memory_space<hbm>>
    %dma_start3A_38 = arith.constant 0 : i32
    %dma_start3A_39 = arith.constant 0 : i32
    %dma_start3A_40 = tpu.memref_slice %arg5[%dma_start3A, %dma_start3A_31, %dma_start3A_38, %dma_start3A_39] : memref<2x2x16x512xf32, #tpu.memory_space<vmem>> -> memref<1x1x16x512xf32, #tpu.memory_space<vmem>>
    %dma_start3A_41 = tpu.memref_squeeze %dma_start3A_40 : memref<1x1x16x512xf32, #tpu.memory_space<vmem>> -> memref<16x512xf32, #tpu.memory_space<vmem>>
    %dma_start3A_42 = arith.constant 0 : i32
    %dma_start3A_43 = tpu.memref_slice %arg2[%multiple_of3A, %dma_start3A_42] : memref<24576x512xf32, #tpu.memory_space<hbm>> -> memref<16x512xf32, #tpu.memory_space<hbm>>
    tpu.enqueue_dma source(%dma_start3A_43 : memref<16x512xf32, #tpu.memory_space<hbm>>) target(%dma_start3A_41 : memref<16x512xf32, #tpu.memory_space<vmem>>) target_semaphore(%arg8 : memref<!tpu.dma_semaphore, #tpu.memory_space<semaphore_mem>>)
    %dma_start3A_44 = arith.constant 1 : i32
    %dma_start3A_45 = arith.constant 0 : i32
    %dma_start3A_46 = arith.constant 0 : i32
    %dma_start3A_47 = arith.constant 0 : i32
    %dma_start3A_48 = tpu.memref_slice %arg5[%dma_start3A_44, %dma_start3A_45, %dma_start3A_46, %dma_start3A_47] : memref<2x2x16x512xf32, #tpu.memory_space<vmem>> -> memref<1x1x16x512xf32, #tpu.memory_space<vmem>>
    %dma_start3A_49 = tpu.memref_squeeze %dma_start3A_48 : memref<1x1x16x512xf32, #tpu.memory_space<vmem>> -> memref<16x512xf32, #tpu.memory_space<vmem>>
    %dma_start3A_50 = arith.constant 0 : i32
    %dma_start3A_51 = tpu.memref_slice %arg3[%multiple_of3A, %dma_start3A_50] : memref<24576x512xf32, #tpu.memory_space<hbm>> -> memref<16x512xf32, #tpu.memory_space<hbm>>
    %dma_start3A_52 = arith.constant 0 : i32
    %dma_start3A_53 = arith.constant 0 : i32
    %dma_start3A_54 = tpu.memref_slice %arg5[%dma_start3A_44, %dma_start3A_45, %dma_start3A_52, %dma_start3A_53] : memref<2x2x16x512xf32, #tpu.memory_space<vmem>> -> memref<1x1x16x512xf32, #tpu.memory_space<vmem>>
    %dma_start3A_55 = tpu.memref_squeeze %dma_start3A_54 : memref<1x1x16x512xf32, #tpu.memory_space<vmem>> -> memref<16x512xf32, #tpu.memory_space<vmem>>
    %dma_start3A_56 = arith.constant 0 : i32
    %dma_start3A_57 = tpu.memref_slice %arg3[%multiple_of3A, %dma_start3A_56] : memref<24576x512xf32, #tpu.memory_space<hbm>> -> memref<16x512xf32, #tpu.memory_space<hbm>>
    tpu.enqueue_dma source(%dma_start3A_57 : memref<16x512xf32, #tpu.memory_space<hbm>>) target(%dma_start3A_55 : memref<16x512xf32, #tpu.memory_space<vmem>>) target_semaphore(%arg8 : memref<!tpu.dma_semaphore, #tpu.memory_space<semaphore_mem>>)
    %scan3A = arith.constant 0 : i32
    %scan3A_58 = arith.constant 0 : i32
    %scan3A_59 = arith.constant 24 : i32
    %scan3A_60 = arith.addi %scan3A_58, %scan3A_59 : i32
    %scan3A_61 = arith.constant 1 : i32
    scf.for %scan3A_115 = %scan3A_58 to %scan3A_60 step %scan3A_61  : i32 {
      %mul3A_116 = arith.constant 2 : i32
      %mul3A_117 = arith.muli %scan3A_115, %mul3A_116 : i32
      %add3A_118 = arith.constant 1 : i32
      %add3A_119 = arith.addi %mul3A_117, %add3A_118 : i32
      %mul3A_120 = arith.constant 8192 : i32
      %mul3A_121 = arith.muli %add3A_119, %mul3A_120 : i32
      %add3A_122 = arith.addi %mul3A_2, %mul3A_121 : i32
      %jit3A_123 = arith.constant 512 : i32
      %div3A_124 = arith.divsi %add3A_122, %jit3A_123 : i32
      %sign3A_125 = arith.constant 0 : i32
      %sign3A_126 = arith.cmpi sgt, %add3A_122, %sign3A_125 : i32
      %sign3A_127 = arith.extui %sign3A_126 : i1 to i32
      %sign3A_128 = arith.constant 0 : i32
      %sign3A_129 = arith.cmpi slt, %add3A_122, %sign3A_128 : i32
      %sign3A_130 = arith.extui %sign3A_129 : i1 to i32
      %sign3A_131 = arith.subi %sign3A_127, %sign3A_130 : i32
      %sign3A_132 = arith.constant 0 : i32
      %sign3A_133 = arith.cmpi sgt, %jit3A_123, %sign3A_132 : i32
      %sign3A_134 = arith.extui %sign3A_133 : i1 to i32
      %sign3A_135 = arith.constant 0 : i32
      %sign3A_136 = arith.cmpi slt, %jit3A_123, %sign3A_135 : i32
      %sign3A_137 = arith.extui %sign3A_136 : i1 to i32
      %sign3A_138 = arith.subi %sign3A_134, %sign3A_137 : i32
      %ne3A_139 = arith.cmpi ne, %sign3A_131, %sign3A_138 : i32
      %rem3A_140 = arith.remsi %add3A_122, %jit3A_123 : i32
      %ne3A_141 = arith.constant 0 : i32
      %ne3A_142 = arith.cmpi ne, %rem3A_140, %ne3A_141 : i32
      %and3A_143 = arith.andi %ne3A_139, %ne3A_142 : i1
      %sub3A_144 = arith.constant 1 : i32
      %sub3A_145 = arith.subi %div3A_124, %sub3A_144 : i32
      %select_n3A_146 = arith.select %and3A_143, %sub3A_145, %div3A_124 : i32
      %multiple_of3A_147 = tpu.assume_multiple %select_n3A_146, 16 : i32
      %dma_start3A_148 = arith.constant 0 : i32
      %dma_start3A_149 = arith.constant 1 : i32
      %dma_start3A_150 = arith.constant 0 : i32
      %dma_start3A_151 = arith.constant 0 : i32
      %dma_start3A_152 = tpu.memref_slice %arg5[%dma_start3A_148, %dma_start3A_149, %dma_start3A_150, %dma_start3A_151] : memref<2x2x16x512xf32, #tpu.memory_space<vmem>> -> memref<1x1x16x512xf32, #tpu.memory_space<vmem>>
      %dma_start3A_153 = tpu.memref_squeeze %dma_start3A_152 : memref<1x1x16x512xf32, #tpu.memory_space<vmem>> -> memref<16x512xf32, #tpu.memory_space<vmem>>
      %dma_start3A_154 = arith.constant 0 : i32
      %dma_start3A_155 = tpu.memref_slice %arg2[%multiple_of3A_147, %dma_start3A_154] : memref<24576x512xf32, #tpu.memory_space<hbm>> -> memref<16x512xf32, #tpu.memory_space<hbm>>
      %dma_start3A_156 = arith.constant 0 : i32
      %dma_start3A_157 = arith.constant 0 : i32
      %dma_start3A_158 = tpu.memref_slice %arg5[%dma_start3A_148, %dma_start3A_149, %dma_start3A_156, %dma_start3A_157] : memref<2x2x16x512xf32, #tpu.memory_space<vmem>> -> memref<1x1x16x512xf32, #tpu.memory_space<vmem>>
      %dma_start3A_159 = tpu.memref_squeeze %dma_start3A_158 : memref<1x1x16x512xf32, #tpu.memory_space<vmem>> -> memref<16x512xf32, #tpu.memory_space<vmem>>
      %dma_start3A_160 = arith.constant 0 : i32
      %dma_start3A_161 = tpu.memref_slice %arg2[%multiple_of3A_147, %dma_start3A_160] : memref<24576x512xf32, #tpu.memory_space<hbm>> -> memref<16x512xf32, #tpu.memory_space<hbm>>
      tpu.enqueue_dma source(%dma_start3A_161 : memref<16x512xf32, #tpu.memory_space<hbm>>) target(%dma_start3A_159 : memref<16x512xf32, #tpu.memory_space<vmem>>) target_semaphore(%arg9 : memref<!tpu.dma_semaphore, #tpu.memory_space<semaphore_mem>>)
      %dma_start3A_162 = arith.constant 1 : i32
      %dma_start3A_163 = arith.constant 1 : i32
      %dma_start3A_164 = arith.constant 0 : i32
      %dma_start3A_165 = arith.constant 0 : i32
      %dma_start3A_166 = tpu.memref_slice %arg5[%dma_start3A_162, %dma_start3A_163, %dma_start3A_164, %dma_start3A_165] : memref<2x2x16x512xf32, #tpu.memory_space<vmem>> -> memref<1x1x16x512xf32, #tpu.memory_space<vmem>>
      %dma_start3A_167 = tpu.memref_squeeze %dma_start3A_166 : memref<1x1x16x512xf32, #tpu.memory_space<vmem>> -> memref<16x512xf32, #tpu.memory_space<vmem>>
      %dma_start3A_168 = arith.constant 0 : i32
      %dma_start3A_169 = tpu.memref_slice %arg3[%multiple_of3A_147, %dma_start3A_168] : memref<24576x512xf32, #tpu.memory_space<hbm>> -> memref<16x512xf32, #tpu.memory_space<hbm>>
      %dma_start3A_170 = arith.constant 0 : i32
      %dma_start3A_171 = arith.constant 0 : i32
      %dma_start3A_172 = tpu.memref_slice %arg5[%dma_start3A_162, %dma_start3A_163, %dma_start3A_170, %dma_start3A_171] : memref<2x2x16x512xf32, #tpu.memory_space<vmem>> -> memref<1x1x16x512xf32, #tpu.memory_space<vmem>>
      %dma_start3A_173 = tpu.memref_squeeze %dma_start3A_172 : memref<1x1x16x512xf32, #tpu.memory_space<vmem>> -> memref<16x512xf32, #tpu.memory_space<vmem>>
      %dma_start3A_174 = arith.constant 0 : i32
      %dma_start3A_175 = tpu.memref_slice %arg3[%multiple_of3A_147, %dma_start3A_174] : memref<24576x512xf32, #tpu.memory_space<hbm>> -> memref<16x512xf32, #tpu.memory_space<hbm>>
      tpu.enqueue_dma source(%dma_start3A_175 : memref<16x512xf32, #tpu.memory_space<hbm>>) target(%dma_start3A_173 : memref<16x512xf32, #tpu.memory_space<vmem>>) target_semaphore(%arg9 : memref<!tpu.dma_semaphore, #tpu.memory_space<semaphore_mem>>)
      %dma_wait3A = arith.constant 0 : i32
      %dma_wait3A_176 = arith.constant 0 : i32
      %dma_wait3A_177 = arith.constant 0 : i32
      %dma_wait3A_178 = arith.constant 0 : i32
      %dma_wait3A_179 = tpu.memref_slice %arg5[%dma_wait3A, %dma_wait3A_176, %dma_wait3A_177, %dma_wait3A_178] : memref<2x2x16x512xf32, #tpu.memory_space<vmem>> -> memref<1x1x16x512xf32, #tpu.memory_space<vmem>>
      %dma_wait3A_180 = tpu.memref_squeeze %dma_wait3A_179 : memref<1x1x16x512xf32, #tpu.memory_space<vmem>> -> memref<16x512xf32, #tpu.memory_space<vmem>>
      %dma_wait3A_181 = arith.constant 0 : i32
      %dma_wait3A_182 = arith.constant 0 : i32
      %dma_wait3A_183 = tpu.memref_slice %arg2[%dma_wait3A_181, %dma_wait3A_182] : memref<24576x512xf32, #tpu.memory_space<hbm>> -> memref<16x512xf32, #tpu.memory_space<hbm>>
      %dma_wait3A_184 = arith.constant 0 : i32
      %dma_wait3A_185 = arith.constant 0 : i32
      %dma_wait3A_186 = tpu.memref_slice %arg5[%dma_wait3A, %dma_wait3A_176, %dma_wait3A_184, %dma_wait3A_185] : memref<2x2x16x512xf32, #tpu.memory_space<vmem>> -> memref<1x1x16x512xf32, #tpu.memory_space<vmem>>
      %dma_wait3A_187 = tpu.memref_squeeze %dma_wait3A_186 : memref<1x1x16x512xf32, #tpu.memory_space<vmem>> -> memref<16x512xf32, #tpu.memory_space<vmem>>
      %dma_wait3A_188 = arith.constant 0 : i32
      %dma_wait3A_189 = arith.constant 0 : i32
      %dma_wait3A_190 = tpu.memref_slice %arg2[%dma_wait3A_188, %dma_wait3A_189] : memref<24576x512xf32, #tpu.memory_space<hbm>> -> memref<16x512xf32, #tpu.memory_space<hbm>>
      tpu.wait_dma2 semaphore(%arg8 : memref<!tpu.dma_semaphore, #tpu.memory_space<semaphore_mem>>) src(%dma_wait3A_190 : memref<16x512xf32, #tpu.memory_space<hbm>>) dst(%dma_wait3A_187 : memref<16x512xf32, #tpu.memory_space<vmem>>)
      %dma_wait3A_191 = arith.constant 1 : i32
      %dma_wait3A_192 = arith.constant 0 : i32
      %dma_wait3A_193 = arith.constant 0 : i32
      %dma_wait3A_194 = arith.constant 0 : i32
      %dma_wait3A_195 = tpu.memref_slice %arg5[%dma_wait3A_191, %dma_wait3A_192, %dma_wait3A_193, %dma_wait3A_194] : memref<2x2x16x512xf32, #tpu.memory_space<vmem>> -> memref<1x1x16x512xf32, #tpu.memory_space<vmem>>
      %dma_wait3A_196 = tpu.memref_squeeze %dma_wait3A_195 : memref<1x1x16x512xf32, #tpu.memory_space<vmem>> -> memref<16x512xf32, #tpu.memory_space<vmem>>
      %dma_wait3A_197 = arith.constant 0 : i32
      %dma_wait3A_198 = arith.constant 0 : i32
      %dma_wait3A_199 = tpu.memref_slice %arg3[%dma_wait3A_197, %dma_wait3A_198] : memref<24576x512xf32, #tpu.memory_space<hbm>> -> memref<16x512xf32, #tpu.memory_space<hbm>>
      %dma_wait3A_200 = arith.constant 0 : i32
      %dma_wait3A_201 = arith.constant 0 : i32
      %dma_wait3A_202 = tpu.memref_slice %arg5[%dma_wait3A_191, %dma_wait3A_192, %dma_wait3A_200, %dma_wait3A_201] : memref<2x2x16x512xf32, #tpu.memory_space<vmem>> -> memref<1x1x16x512xf32, #tpu.memory_space<vmem>>
      %dma_wait3A_203 = tpu.memref_squeeze %dma_wait3A_202 : memref<1x1x16x512xf32, #tpu.memory_space<vmem>> -> memref<16x512xf32, #tpu.memory_space<vmem>>
      %dma_wait3A_204 = arith.constant 0 : i32
      %dma_wait3A_205 = arith.constant 0 : i32
      %dma_wait3A_206 = tpu.memref_slice %arg3[%dma_wait3A_204, %dma_wait3A_205] : memref<24576x512xf32, #tpu.memory_space<hbm>> -> memref<16x512xf32, #tpu.memory_space<hbm>>
      tpu.wait_dma2 semaphore(%arg8 : memref<!tpu.dma_semaphore, #tpu.memory_space<semaphore_mem>>) src(%dma_wait3A_206 : memref<16x512xf32, #tpu.memory_space<hbm>>) dst(%dma_wait3A_203 : memref<16x512xf32, #tpu.memory_space<vmem>>)
      %jit3A_207 = arith.constant 2 : i32
      %eq3A = arith.constant 0 : i32
      %eq3A_208 = arith.cmpi eq, %jit3A_207, %eq3A : i32
      %jit3A_209 = arith.constant 1 : i32
      %select_n3A_210 = arith.select %eq3A_208, %jit3A_209, %jit3A_207 : i32
      %rem3A_211 = arith.remsi %add3A, %select_n3A_210 : i32
      %ne3A_212 = arith.constant 0 : i32
      %ne3A_213 = arith.cmpi ne, %rem3A_211, %ne3A_212 : i32
      %lt3A = arith.constant 0 : i32
      %lt3A_214 = arith.cmpi slt, %rem3A_211, %lt3A : i32
      %lt3A_215 = arith.constant 0 : i32
      %lt3A_216 = arith.cmpi slt, %select_n3A_210, %lt3A_215 : i32
      %ne3A_217 = arith.xori %lt3A_214, %lt3A_216 : i1
      %and3A_218 = arith.andi %ne3A_217, %ne3A_213 : i1
      %add3A_219 = arith.addi %rem3A_211, %select_n3A_210 : i32
      %select_n3A_220 = arith.select %and3A_218, %add3A_219, %rem3A_211 : i32
      %mul3A_221 = arith.constant 16 : i32
      %mul3A_222 = arith.muli %mul3A_221, %select_n3A_220 : i32
      %add3A_223 = arith.addi %mul3A_117, %mul3A_222 : i32
      %jit3A_224 = arith.constant 32 : i32
      %div3A_225 = arith.divsi %add3A_223, %jit3A_224 : i32
      %sign3A_226 = arith.constant 0 : i32
      %sign3A_227 = arith.cmpi sgt, %add3A_223, %sign3A_226 : i32
      %sign3A_228 = arith.extui %sign3A_227 : i1 to i32
      %sign3A_229 = arith.constant 0 : i32
      %sign3A_230 = arith.cmpi slt, %add3A_223, %sign3A_229 : i32
      %sign3A_231 = arith.extui %sign3A_230 : i1 to i32
      %sign3A_232 = arith.subi %sign3A_228, %sign3A_231 : i32
      %sign3A_233 = arith.constant 0 : i32
      %sign3A_234 = arith.cmpi sgt, %jit3A_224, %sign3A_233 : i32
      %sign3A_235 = arith.extui %sign3A_234 : i1 to i32
      %sign3A_236 = arith.constant 0 : i32
      %sign3A_237 = arith.cmpi slt, %jit3A_224, %sign3A_236 : i32
      %sign3A_238 = arith.extui %sign3A_237 : i1 to i32
      %sign3A_239 = arith.subi %sign3A_235, %sign3A_238 : i32
      %ne3A_240 = arith.cmpi ne, %sign3A_232, %sign3A_239 : i32
      %rem3A_241 = arith.remsi %add3A_223, %jit3A_224 : i32
      %ne3A_242 = arith.constant 0 : i32
      %ne3A_243 = arith.cmpi ne, %rem3A_241, %ne3A_242 : i32
      %and3A_244 = arith.andi %ne3A_240, %ne3A_243 : i1
      %sub3A_245 = arith.constant 1 : i32
      %sub3A_246 = arith.subi %div3A_225, %sub3A_245 : i32
      %select_n3A_247 = arith.select %and3A_244, %sub3A_246, %div3A_225 : i32
      %add3A_248 = arith.constant 0 : i32
      %add3A_249 = vector.broadcast %add3A_248 : i32 to vector<16xi32>
      %add3A_250 = arith.addi %mul3A_5, %add3A_249 : vector<16xi32>
      %mul3A_251 = arith.constant 4096 : i32
      %mul3A_252 = arith.muli %select_n3A_247, %mul3A_251 : i32
      %add3A_253 = vector.broadcast %mul3A_252 : i32 to vector<16xi32>
      %add3A_254 = arith.addi %add3A_250, %add3A_253 : vector<16xi32>
      %parallel_loop3A_255 = arith.constant 0 : i32
      %parallel_loop3A_256 = arith.constant 512 : i32
      %parallel_loop3A_257 = arith.constant 1 : i32
      scf.for %parallel_loop3A_370 = %parallel_loop3A_255 to %parallel_loop3A_256 step %parallel_loop3A_257  : i32 {
        %parallel_loop3A_371 = arith.constant 5 : i32
        %parallel_loop3A_372 = arith.shrsi %parallel_loop3A_370, %parallel_loop3A_371 : i32
        %parallel_loop3A_373 = arith.constant 31 : i32
        %parallel_loop3A_374 = arith.andi %parallel_loop3A_370, %parallel_loop3A_373 : i32
        %parallel_loop3A_375 = arith.constant 16 : i32
        %parallel_loop3A_376 = arith.muli %parallel_loop3A_374, %parallel_loop3A_375 : i32
        %parallel_loop3A_377 = arith.constant 0 : i32
        %parallel_loop3A_378 = arith.constant 0 : i32
        %parallel_loop3A_379 = arith.index_cast %parallel_loop3A_377 : i32 to index
        %parallel_loop3A_380 = arith.index_cast %parallel_loop3A_378 : i32 to index
        %parallel_loop3A_381 = arith.index_cast %parallel_loop3A_372 : i32 to index
        %parallel_loop3A_382 = arith.index_cast %parallel_loop3A_376 : i32 to index
        %parallel_loop3A_383 = tpu.vector_load %arg5[%parallel_loop3A_379, %parallel_loop3A_380, %parallel_loop3A_381, %parallel_loop3A_382] {strides = array<i32>} : memref<2x2x16x512xf32, #tpu.memory_space<vmem>>, vector<16xf32>,
        %parallel_loop3A_384 = arith.constant 2.550000e+02 : f32
        %parallel_loop3A_385 = vector.broadcast %parallel_loop3A_384 : f32 to vector<16xf32>
        %parallel_loop3A_386 = arith.mulf %parallel_loop3A_383, %parallel_loop3A_385 : vector<16xf32>
        %parallel_loop3A_387 = arith.fptosi %parallel_loop3A_386 : vector<16xf32> to vector<16xi32>
        %parallel_loop3A_388 = vector.bitcast %parallel_loop3A_387 : vector<16xi32> to vector<16xi32>
        %parallel_loop3A_389 = arith.constant 255 : i32
        %parallel_loop3A_390 = vector.broadcast %parallel_loop3A_389 : i32 to vector<16xi32>
        %parallel_loop3A_391 = arith.minui %parallel_loop3A_388, %parallel_loop3A_390 : vector<16xi32>
        %parallel_loop3A_392 = vector.bitcast %parallel_loop3A_391 : vector<16xi32> to vector<16xi32>
        %parallel_loop3A_393 = arith.addi %parallel_loop3A_392, %add3A_254 : vector<16xi32>
        tpu.vector_store_idx %arg6[%parallel_loop3A_393], %broadcast_in_dim3A_6 {add = true} : memref<16384xf32, #tpu.memory_space<vmem>>[vector<16xi32>], vector<16xf32>,
      } {sc.loop_unroll_factor = 16 : i64, sc.parallel_access}
      %add3A_258 = arith.constant 8192 : i32
      %add3A_259 = vector.broadcast %add3A_258 : i32 to vector<16xi32>
      %add3A_260 = arith.addi %mul3A_5, %add3A_259 : vector<16xi32>
      %mul3A_261 = arith.constant 4096 : i32
      %mul3A_262 = arith.muli %select_n3A_247, %mul3A_261 : i32
      %add3A_263 = vector.broadcast %mul3A_262 : i32 to vector<16xi32>
      %add3A_264 = arith.addi %add3A_260, %add3A_263 : vector<16xi32>
      %parallel_loop3A_265 = arith.constant 0 : i32
      %parallel_loop3A_266 = arith.constant 512 : i32
      %parallel_loop3A_267 = arith.constant 1 : i32
      scf.for %parallel_loop3A_370 = %parallel_loop3A_265 to %parallel_loop3A_266 step %parallel_loop3A_267  : i32 {
        %parallel_loop3A_371 = arith.constant 5 : i32
        %parallel_loop3A_372 = arith.shrsi %parallel_loop3A_370, %parallel_loop3A_371 : i32
        %parallel_loop3A_373 = arith.constant 31 : i32
        %parallel_loop3A_374 = arith.andi %parallel_loop3A_370, %parallel_loop3A_373 : i32
        %parallel_loop3A_375 = arith.constant 16 : i32
        %parallel_loop3A_376 = arith.muli %parallel_loop3A_374, %parallel_loop3A_375 : i32
        %parallel_loop3A_377 = arith.constant 1 : i32
        %parallel_loop3A_378 = arith.constant 0 : i32
        %parallel_loop3A_379 = arith.index_cast %parallel_loop3A_377 : i32 to index
        %parallel_loop3A_380 = arith.index_cast %parallel_loop3A_378 : i32 to index
        %parallel_loop3A_381 = arith.index_cast %parallel_loop3A_372 : i32 to index
        %parallel_loop3A_382 = arith.index_cast %parallel_loop3A_376 : i32 to index
        %parallel_loop3A_383 = tpu.vector_load %arg5[%parallel_loop3A_379, %parallel_loop3A_380, %parallel_loop3A_381, %parallel_loop3A_382] {strides = array<i32>} : memref<2x2x16x512xf32, #tpu.memory_space<vmem>>, vector<16xf32>,
        %parallel_loop3A_384 = arith.constant 2.550000e+02 : f32
        %parallel_loop3A_385 = vector.broadcast %parallel_loop3A_384 : f32 to vector<16xf32>
        %parallel_loop3A_386 = arith.mulf %parallel_loop3A_383, %parallel_loop3A_385 : vector<16xf32>
        %parallel_loop3A_387 = arith.fptosi %parallel_loop3A_386 : vector<16xf32> to vector<16xi32>
        %parallel_loop3A_388 = vector.bitcast %parallel_loop3A_387 : vector<16xi32> to vector<16xi32>
        %parallel_loop3A_389 = arith.constant 255 : i32
        %parallel_loop3A_390 = vector.broadcast %parallel_loop3A_389 : i32 to vector<16xi32>
        %parallel_loop3A_391 = arith.minui %parallel_loop3A_388, %parallel_loop3A_390 : vector<16xi32>
        %parallel_loop3A_392 = vector.bitcast %parallel_loop3A_391 : vector<16xi32> to vector<16xi32>
        %parallel_loop3A_393 = arith.addi %parallel_loop3A_392, %add3A_264 : vector<16xi32>
        tpu.vector_store_idx %arg6[%parallel_loop3A_393], %broadcast_in_dim3A_6 {add = true} : memref<16384xf32, #tpu.memory_space<vmem>>[vector<16xi32>], vector<16xf32>,
      } {sc.loop_unroll_factor = 16 : i64, sc.parallel_access}
      %add3A_268 = arith.constant 2 : i32
      %add3A_269 = arith.addi %mul3A_117, %add3A_268 : i32
      %lt3A_270 = arith.constant 48 : i32
      %lt3A_271 = arith.cmpi slt, %add3A_269, %lt3A_270 : i32
      %convert_element_type3A = arith.extui %lt3A_271 : i1 to i32
      %cond3A = arith.constant 0 : i32
      %cond3A_272 = arith.cmpi ne, %convert_element_type3A, %cond3A : i32
      scf.if %cond3A_272 {
        %add3A_370 = arith.constant 2 : i32
        %add3A_371 = arith.addi %mul3A_117, %add3A_370 : i32
        %mul3A_372 = arith.constant 8192 : i32
        %mul3A_373 = arith.muli %add3A_371, %mul3A_372 : i32
        %add3A_374 = arith.addi %mul3A_2, %mul3A_373 : i32
        %jit3A_375 = arith.constant 512 : i32
        %div3A_376 = arith.divsi %add3A_374, %jit3A_375 : i32
        %sign3A_377 = arith.constant 0 : i32
        %sign3A_378 = arith.cmpi sgt, %add3A_374, %sign3A_377 : i32
        %sign3A_379 = arith.extui %sign3A_378 : i1 to i32
        %sign3A_380 = arith.constant 0 : i32
        %sign3A_381 = arith.cmpi slt, %add3A_374, %sign3A_380 : i32
        %sign3A_382 = arith.extui %sign3A_381 : i1 to i32
        %sign3A_383 = arith.subi %sign3A_379, %sign3A_382 : i32
        %sign3A_384 = arith.constant 0 : i32
        %sign3A_385 = arith.cmpi sgt, %jit3A_375, %sign3A_384 : i32
        %sign3A_386 = arith.extui %sign3A_385 : i1 to i32
        %sign3A_387 = arith.constant 0 : i32
        %sign3A_388 = arith.cmpi slt, %jit3A_375, %sign3A_387 : i32
        %sign3A_389 = arith.extui %sign3A_388 : i1 to i32
        %sign3A_390 = arith.subi %sign3A_386, %sign3A_389 : i32
        %ne3A_391 = arith.cmpi ne, %sign3A_383, %sign3A_390 : i32
        %rem3A_392 = arith.remsi %add3A_374, %jit3A_375 : i32
        %ne3A_393 = arith.constant 0 : i32
        %ne3A_394 = arith.cmpi ne, %rem3A_392, %ne3A_393 : i32
        %and3A_395 = arith.andi %ne3A_391, %ne3A_394 : i1
        %sub3A_396 = arith.constant 1 : i32
        %sub3A_397 = arith.subi %div3A_376, %sub3A_396 : i32
        %select_n3A_398 = arith.select %and3A_395, %sub3A_397, %div3A_376 : i32
        %multiple_of3A_399 = tpu.assume_multiple %select_n3A_398, 16 : i32
        %dma_start3A_400 = arith.constant 0 : i32
        %dma_start3A_401 = arith.constant 0 : i32
        %dma_start3A_402 = arith.constant 0 : i32
        %dma_start3A_403 = arith.constant 0 : i32
        %dma_start3A_404 = tpu.memref_slice %arg5[%dma_start3A_400, %dma_start3A_401, %dma_start3A_402, %dma_start3A_403] : memref<2x2x16x512xf32, #tpu.memory_space<vmem>> -> memref<1x1x16x512xf32, #tpu.memory_space<vmem>>
        %dma_start3A_405 = tpu.memref_squeeze %dma_start3A_404 : memref<1x1x16x512xf32, #tpu.memory_space<vmem>> -> memref<16x512xf32, #tpu.memory_space<vmem>>
        %dma_start3A_406 = arith.constant 0 : i32
        %dma_start3A_407 = tpu.memref_slice %arg2[%multiple_of3A_399, %dma_start3A_406] : memref<24576x512xf32, #tpu.memory_space<hbm>> -> memref<16x512xf32, #tpu.memory_space<hbm>>
        %dma_start3A_408 = arith.constant 0 : i32
        %dma_start3A_409 = arith.constant 0 : i32
        %dma_start3A_410 = tpu.memref_slice %arg5[%dma_start3A_400, %dma_start3A_401, %dma_start3A_408, %dma_start3A_409] : memref<2x2x16x512xf32, #tpu.memory_space<vmem>> -> memref<1x1x16x512xf32, #tpu.memory_space<vmem>>
        %dma_start3A_411 = tpu.memref_squeeze %dma_start3A_410 : memref<1x1x16x512xf32, #tpu.memory_space<vmem>> -> memref<16x512xf32, #tpu.memory_space<vmem>>
        %dma_start3A_412 = arith.constant 0 : i32
        %dma_start3A_413 = tpu.memref_slice %arg2[%multiple_of3A_399, %dma_start3A_412] : memref<24576x512xf32, #tpu.memory_space<hbm>> -> memref<16x512xf32, #tpu.memory_space<hbm>>
        tpu.enqueue_dma source(%dma_start3A_413 : memref<16x512xf32, #tpu.memory_space<hbm>>) target(%dma_start3A_411 : memref<16x512xf32, #tpu.memory_space<vmem>>) target_semaphore(%arg8 : memref<!tpu.dma_semaphore, #tpu.memory_space<semaphore_mem>>)
        %dma_start3A_414 = arith.constant 1 : i32
        %dma_start3A_415 = arith.constant 0 : i32
        %dma_start3A_416 = arith.constant 0 : i32
        %dma_start3A_417 = arith.constant 0 : i32
        %dma_start3A_418 = tpu.memref_slice %arg5[%dma_start3A_414, %dma_start3A_415, %dma_start3A_416, %dma_start3A_417] : memref<2x2x16x512xf32, #tpu.memory_space<vmem>> -> memref<1x1x16x512xf32, #tpu.memory_space<vmem>>
        %dma_start3A_419 = tpu.memref_squeeze %dma_start3A_418 : memref<1x1x16x512xf32, #tpu.memory_space<vmem>> -> memref<16x512xf32, #tpu.memory_space<vmem>>
        %dma_start3A_420 = arith.constant 0 : i32
        %dma_start3A_421 = tpu.memref_slice %arg3[%multiple_of3A_399, %dma_start3A_420] : memref<24576x512xf32, #tpu.memory_space<hbm>> -> memref<16x512xf32, #tpu.memory_space<hbm>>
        %dma_start3A_422 = arith.constant 0 : i32
        %dma_start3A_423 = arith.constant 0 : i32
        %dma_start3A_424 = tpu.memref_slice %arg5[%dma_start3A_414, %dma_start3A_415, %dma_start3A_422, %dma_start3A_423] : memref<2x2x16x512xf32, #tpu.memory_space<vmem>> -> memref<1x1x16x512xf32, #tpu.memory_space<vmem>>
        %dma_start3A_425 = tpu.memref_squeeze %dma_start3A_424 : memref<1x1x16x512xf32, #tpu.memory_space<vmem>> -> memref<16x512xf32, #tpu.memory_space<vmem>>
        %dma_start3A_426 = arith.constant 0 : i32
        %dma_start3A_427 = tpu.memref_slice %arg3[%multiple_of3A_399, %dma_start3A_426] : memref<24576x512xf32, #tpu.memory_space<hbm>> -> memref<16x512xf32, #tpu.memory_space<hbm>>
        tpu.enqueue_dma source(%dma_start3A_427 : memref<16x512xf32, #tpu.memory_space<hbm>>) target(%dma_start3A_425 : memref<16x512xf32, #tpu.memory_space<vmem>>) target_semaphore(%arg8 : memref<!tpu.dma_semaphore, #tpu.memory_space<semaphore_mem>>)
      } else {
      }
      %dma_wait3A_273 = arith.constant 0 : i32
      %dma_wait3A_274 = arith.constant 1 : i32
      %dma_wait3A_275 = arith.constant 0 : i32
      %dma_wait3A_276 = arith.constant 0 : i32
      %dma_wait3A_277 = tpu.memref_slice %arg5[%dma_wait3A_273, %dma_wait3A_274, %dma_wait3A_275, %dma_wait3A_276] : memref<2x2x16x512xf32, #tpu.memory_space<vmem>> -> memref<1x1x16x512xf32, #tpu.memory_space<vmem>>
      %dma_wait3A_278 = tpu.memref_squeeze %dma_wait3A_277 : memref<1x1x16x512xf32, #tpu.memory_space<vmem>> -> memref<16x512xf32, #tpu.memory_space<vmem>>
      %dma_wait3A_279 = arith.constant 0 : i32
      %dma_wait3A_280 = arith.constant 0 : i32
      %dma_wait3A_281 = tpu.memref_slice %arg2[%dma_wait3A_279, %dma_wait3A_280] : memref<24576x512xf32, #tpu.memory_space<hbm>> -> memref<16x512xf32, #tpu.memory_space<hbm>>
      %dma_wait3A_282 = arith.constant 0 : i32
      %dma_wait3A_283 = arith.constant 0 : i32
      %dma_wait3A_284 = tpu.memref_slice %arg5[%dma_wait3A_273, %dma_wait3A_274, %dma_wait3A_282, %dma_wait3A_283] : memref<2x2x16x512xf32, #tpu.memory_space<vmem>> -> memref<1x1x16x512xf32, #tpu.memory_space<vmem>>
      %dma_wait3A_285 = tpu.memref_squeeze %dma_wait3A_284 : memref<1x1x16x512xf32, #tpu.memory_space<vmem>> -> memref<16x512xf32, #tpu.memory_space<vmem>>
      %dma_wait3A_286 = arith.constant 0 : i32
      %dma_wait3A_287 = arith.constant 0 : i32
      %dma_wait3A_288 = tpu.memref_slice %arg2[%dma_wait3A_286, %dma_wait3A_287] : memref<24576x512xf32, #tpu.memory_space<hbm>> -> memref<16x512xf32, #tpu.memory_space<hbm>>
      tpu.wait_dma2 semaphore(%arg9 : memref<!tpu.dma_semaphore, #tpu.memory_space<semaphore_mem>>) src(%dma_wait3A_288 : memref<16x512xf32, #tpu.memory_space<hbm>>) dst(%dma_wait3A_285 : memref<16x512xf32, #tpu.memory_space<vmem>>)
      %dma_wait3A_289 = arith.constant 1 : i32
      %dma_wait3A_290 = arith.constant 1 : i32
      %dma_wait3A_291 = arith.constant 0 : i32
      %dma_wait3A_292 = arith.constant 0 : i32
      %dma_wait3A_293 = tpu.memref_slice %arg5[%dma_wait3A_289, %dma_wait3A_290, %dma_wait3A_291, %dma_wait3A_292] : memref<2x2x16x512xf32, #tpu.memory_space<vmem>> -> memref<1x1x16x512xf32, #tpu.memory_space<vmem>>
      %dma_wait3A_294 = tpu.memref_squeeze %dma_wait3A_293 : memref<1x1x16x512xf32, #tpu.memory_space<vmem>> -> memref<16x512xf32, #tpu.memory_space<vmem>>
      %dma_wait3A_295 = arith.constant 0 : i32
      %dma_wait3A_296 = arith.constant 0 : i32
      %dma_wait3A_297 = tpu.memref_slice %arg3[%dma_wait3A_295, %dma_wait3A_296] : memref<24576x512xf32, #tpu.memory_space<hbm>> -> memref<16x512xf32, #tpu.memory_space<hbm>>
      %dma_wait3A_298 = arith.constant 0 : i32
      %dma_wait3A_299 = arith.constant 0 : i32
      %dma_wait3A_300 = tpu.memref_slice %arg5[%dma_wait3A_289, %dma_wait3A_290, %dma_wait3A_298, %dma_wait3A_299] : memref<2x2x16x512xf32, #tpu.memory_space<vmem>> -> memref<1x1x16x512xf32, #tpu.memory_space<vmem>>
      %dma_wait3A_301 = tpu.memref_squeeze %dma_wait3A_300 : memref<1x1x16x512xf32, #tpu.memory_space<vmem>> -> memref<16x512xf32, #tpu.memory_space<vmem>>
      %dma_wait3A_302 = arith.constant 0 : i32
      %dma_wait3A_303 = arith.constant 0 : i32
      %dma_wait3A_304 = tpu.memref_slice %arg3[%dma_wait3A_302, %dma_wait3A_303] : memref<24576x512xf32, #tpu.memory_space<hbm>> -> memref<16x512xf32, #tpu.memory_space<hbm>>
      tpu.wait_dma2 semaphore(%arg9 : memref<!tpu.dma_semaphore, #tpu.memory_space<semaphore_mem>>) src(%dma_wait3A_304 : memref<16x512xf32, #tpu.memory_space<hbm>>) dst(%dma_wait3A_301 : memref<16x512xf32, #tpu.memory_space<vmem>>)
      %add3A_305 = arith.constant 1 : i32
      %add3A_306 = arith.addi %mul3A_117, %add3A_305 : i32
      %jit3A_307 = arith.constant 2 : i32
      %eq3A_308 = arith.constant 0 : i32
      %eq3A_309 = arith.cmpi eq, %jit3A_307, %eq3A_308 : i32
      %jit3A_310 = arith.constant 1 : i32
      %select_n3A_311 = arith.select %eq3A_309, %jit3A_310, %jit3A_307 : i32
      %rem3A_312 = arith.remsi %add3A, %select_n3A_311 : i32
      %ne3A_313 = arith.constant 0 : i32
      %ne3A_314 = arith.cmpi ne, %rem3A_312, %ne3A_313 : i32
      %lt3A_315 = arith.constant 0 : i32
      %lt3A_316 = arith.cmpi slt, %rem3A_312, %lt3A_315 : i32
      %lt3A_317 = arith.constant 0 : i32
      %lt3A_318 = arith.cmpi slt, %select_n3A_311, %lt3A_317 : i32
      %ne3A_319 = arith.xori %lt3A_316, %lt3A_318 : i1
      %and3A_320 = arith.andi %ne3A_319, %ne3A_314 : i1
      %add3A_321 = arith.addi %rem3A_312, %select_n3A_311 : i32
      %select_n3A_322 = arith.select %and3A_320, %add3A_321, %rem3A_312 : i32
      %mul3A_323 = arith.constant 16 : i32
      %mul3A_324 = arith.muli %mul3A_323, %select_n3A_322 : i32
      %add3A_325 = arith.addi %add3A_306, %mul3A_324 : i32
      %jit3A_326 = arith.constant 32 : i32
      %div3A_327 = arith.divsi %add3A_325, %jit3A_326 : i32
      %sign3A_328 = arith.constant 0 : i32
      %sign3A_329 = arith.cmpi sgt, %add3A_325, %sign3A_328 : i32
      %sign3A_330 = arith.extui %sign3A_329 : i1 to i32
      %sign3A_331 = arith.constant 0 : i32
      %sign3A_332 = arith.cmpi slt, %add3A_325, %sign3A_331 : i32
      %sign3A_333 = arith.extui %sign3A_332 : i1 to i32
      %sign3A_334 = arith.subi %sign3A_330, %sign3A_333 : i32
      %sign3A_335 = arith.constant 0 : i32
      %sign3A_336 = arith.cmpi sgt, %jit3A_326, %sign3A_335 : i32
      %sign3A_337 = arith.extui %sign3A_336 : i1 to i32
      %sign3A_338 = arith.constant 0 : i32
      %sign3A_339 = arith.cmpi slt, %jit3A_326, %sign3A_338 : i32
      %sign3A_340 = arith.extui %sign3A_339 : i1 to i32
      %sign3A_341 = arith.subi %sign3A_337, %sign3A_340 : i32
      %ne3A_342 = arith.cmpi ne, %sign3A_334, %sign3A_341 : i32
      %rem3A_343 = arith.remsi %add3A_325, %jit3A_326 : i32
      %ne3A_344 = arith.constant 0 : i32
      %ne3A_345 = arith.cmpi ne, %rem3A_343, %ne3A_344 : i32
      %and3A_346 = arith.andi %ne3A_342, %ne3A_345 : i1
      %sub3A_347 = arith.constant 1 : i32
      %sub3A_348 = arith.subi %div3A_327, %sub3A_347 : i32
      %select_n3A_349 = arith.select %and3A_346, %sub3A_348, %div3A_327 : i32
      %add3A_350 = arith.constant 0 : i32
      %add3A_351 = vector.broadcast %add3A_350 : i32 to vector<16xi32>
      %add3A_352 = arith.addi %mul3A_5, %add3A_351 : vector<16xi32>
      %mul3A_353 = arith.constant 4096 : i32
      %mul3A_354 = arith.muli %select_n3A_349, %mul3A_353 : i32
      %add3A_355 = vector.broadcast %mul3A_354 : i32 to vector<16xi32>
      %add3A_356 = arith.addi %add3A_352, %add3A_355 : vector<16xi32>
      %parallel_loop3A_357 = arith.constant 0 : i32
      %parallel_loop3A_358 = arith.constant 512 : i32
      %parallel_loop3A_359 = arith.constant 1 : i32
      scf.for %parallel_loop3A_370 = %parallel_loop3A_357 to %parallel_loop3A_358 step %parallel_loop3A_359  : i32 {
        %parallel_loop3A_371 = arith.constant 5 : i32
        %parallel_loop3A_372 = arith.shrsi %parallel_loop3A_370, %parallel_loop3A_371 : i32
        %parallel_loop3A_373 = arith.constant 31 : i32
        %parallel_loop3A_374 = arith.andi %parallel_loop3A_370, %parallel_loop3A_373 : i32
        %parallel_loop3A_375 = arith.constant 16 : i32
        %parallel_loop3A_376 = arith.muli %parallel_loop3A_374, %parallel_loop3A_375 : i32
        %parallel_loop3A_377 = arith.constant 0 : i32
        %parallel_loop3A_378 = arith.constant 1 : i32
        %parallel_loop3A_379 = arith.index_cast %parallel_loop3A_377 : i32 to index
        %parallel_loop3A_380 = arith.index_cast %parallel_loop3A_378 : i32 to index
        %parallel_loop3A_381 = arith.index_cast %parallel_loop3A_372 : i32 to index
        %parallel_loop3A_382 = arith.index_cast %parallel_loop3A_376 : i32 to index
        %parallel_loop3A_383 = tpu.vector_load %arg5[%parallel_loop3A_379, %parallel_loop3A_380, %parallel_loop3A_381, %parallel_loop3A_382] {strides = array<i32>} : memref<2x2x16x512xf32, #tpu.memory_space<vmem>>, vector<16xf32>,
        %parallel_loop3A_384 = arith.constant 2.550000e+02 : f32
        %parallel_loop3A_385 = vector.broadcast %parallel_loop3A_384 : f32 to vector<16xf32>
        %parallel_loop3A_386 = arith.mulf %parallel_loop3A_383, %parallel_loop3A_385 : vector<16xf32>
        %parallel_loop3A_387 = arith.fptosi %parallel_loop3A_386 : vector<16xf32> to vector<16xi32>
        %parallel_loop3A_388 = vector.bitcast %parallel_loop3A_387 : vector<16xi32> to vector<16xi32>
        %parallel_loop3A_389 = arith.constant 255 : i32
        %parallel_loop3A_390 = vector.broadcast %parallel_loop3A_389 : i32 to vector<16xi32>
        %parallel_loop3A_391 = arith.minui %parallel_loop3A_388, %parallel_loop3A_390 : vector<16xi32>
        %parallel_loop3A_392 = vector.bitcast %parallel_loop3A_391 : vector<16xi32> to vector<16xi32>
        %parallel_loop3A_393 = arith.addi %parallel_loop3A_392, %add3A_356 : vector<16xi32>
        tpu.vector_store_idx %arg6[%parallel_loop3A_393], %broadcast_in_dim3A_6 {add = true} : memref<16384xf32, #tpu.memory_space<vmem>>[vector<16xi32>], vector<16xf32>,
      } {sc.loop_unroll_factor = 16 : i64, sc.parallel_access}
      %add3A_360 = arith.constant 8192 : i32
      %add3A_361 = vector.broadcast %add3A_360 : i32 to vector<16xi32>
      %add3A_362 = arith.addi %mul3A_5, %add3A_361 : vector<16xi32>
      %mul3A_363 = arith.constant 4096 : i32
      %mul3A_364 = arith.muli %select_n3A_349, %mul3A_363 : i32
      %add3A_365 = vector.broadcast %mul3A_364 : i32 to vector<16xi32>
      %add3A_366 = arith.addi %add3A_362, %add3A_365 : vector<16xi32>
      %parallel_loop3A_367 = arith.constant 0 : i32
      %parallel_loop3A_368 = arith.constant 512 : i32
      %parallel_loop3A_369 = arith.constant 1 : i32
      scf.for %parallel_loop3A_370 = %parallel_loop3A_367 to %parallel_loop3A_368 step %parallel_loop3A_369  : i32 {
        %parallel_loop3A_371 = arith.constant 5 : i32
        %parallel_loop3A_372 = arith.shrsi %parallel_loop3A_370, %parallel_loop3A_371 : i32
        %parallel_loop3A_373 = arith.constant 31 : i32
        %parallel_loop3A_374 = arith.andi %parallel_loop3A_370, %parallel_loop3A_373 : i32
        %parallel_loop3A_375 = arith.constant 16 : i32
        %parallel_loop3A_376 = arith.muli %parallel_loop3A_374, %parallel_loop3A_375 : i32
        %parallel_loop3A_377 = arith.constant 1 : i32
        %parallel_loop3A_378 = arith.constant 1 : i32
        %parallel_loop3A_379 = arith.index_cast %parallel_loop3A_377 : i32 to index
        %parallel_loop3A_380 = arith.index_cast %parallel_loop3A_378 : i32 to index
        %parallel_loop3A_381 = arith.index_cast %parallel_loop3A_372 : i32 to index
        %parallel_loop3A_382 = arith.index_cast %parallel_loop3A_376 : i32 to index
        %parallel_loop3A_383 = tpu.vector_load %arg5[%parallel_loop3A_379, %parallel_loop3A_380, %parallel_loop3A_381, %parallel_loop3A_382] {strides = array<i32>} : memref<2x2x16x512xf32, #tpu.memory_space<vmem>>, vector<16xf32>,
        %parallel_loop3A_384 = arith.constant 2.550000e+02 : f32
        %parallel_loop3A_385 = vector.broadcast %parallel_loop3A_384 : f32 to vector<16xf32>
        %parallel_loop3A_386 = arith.mulf %parallel_loop3A_383, %parallel_loop3A_385 : vector<16xf32>
        %parallel_loop3A_387 = arith.fptosi %parallel_loop3A_386 : vector<16xf32> to vector<16xi32>
        %parallel_loop3A_388 = vector.bitcast %parallel_loop3A_387 : vector<16xi32> to vector<16xi32>
        %parallel_loop3A_389 = arith.constant 255 : i32
        %parallel_loop3A_390 = vector.broadcast %parallel_loop3A_389 : i32 to vector<16xi32>
        %parallel_loop3A_391 = arith.minui %parallel_loop3A_388, %parallel_loop3A_390 : vector<16xi32>
        %parallel_loop3A_392 = vector.bitcast %parallel_loop3A_391 : vector<16xi32> to vector<16xi32>
        %parallel_loop3A_393 = arith.addi %parallel_loop3A_392, %add3A_366 : vector<16xi32>
        tpu.vector_store_idx %arg6[%parallel_loop3A_393], %broadcast_in_dim3A_6 {add = true} : memref<16384xf32, #tpu.memory_space<vmem>>[vector<16xi32>], vector<16xf32>,
      } {sc.loop_unroll_factor = 16 : i64, sc.parallel_access}
    }
    %scan3A_62 = arith.constant 24 : i32
    %scan3A_63 = arith.constant 0 : i32
    %scan3A_64 = arith.constant 0 : i32
    %scan3A_65 = arith.constant 16 : i32
    %scan3A_66 = arith.addi %scan3A_64, %scan3A_65 : i32
    %scan3A_67 = arith.constant 1 : i32
    scf.for %scan3A_115 = %scan3A_64 to %scan3A_66 step %scan3A_67  : i32 {
      %mul3A_116 = arith.constant 16 : i32
      %mul3A_117 = arith.muli %scan3A_115, %mul3A_116 : i32
      %add3A_118 = arith.constant 0 : i32
      %add3A_119 = arith.addi %add3A_118, %mul3A_117 : i32
      %get3A = arith.index_cast %add3A_119 : i32 to index
      %get3A_120 = tpu.vector_load %arg6[%get3A] {strides = array<i32>} : memref<16384xf32, #tpu.memory_space<vmem>>, vector<16xf32>,
      %add3A_121 = arith.constant 256 : i32
      %add3A_122 = arith.addi %add3A_121, %mul3A_117 : i32
      %get3A_123 = arith.index_cast %add3A_122 : i32 to index
      %get3A_124 = tpu.vector_load %arg6[%get3A_123] {strides = array<i32>} : memref<16384xf32, #tpu.memory_space<vmem>>, vector<16xf32>,
      %add3A_125 = arith.addf %get3A_120, %get3A_124 : vector<16xf32>
      %add3A_126 = arith.constant 512 : i32
      %add3A_127 = arith.addi %add3A_126, %mul3A_117 : i32
      %get3A_128 = arith.index_cast %add3A_127 : i32 to index
      %get3A_129 = tpu.vector_load %arg6[%get3A_128] {strides = array<i32>} : memref<16384xf32, #tpu.memory_space<vmem>>, vector<16xf32>,
      %add3A_130 = arith.addf %add3A_125, %get3A_129 : vector<16xf32>
      %add3A_131 = arith.constant 768 : i32
      %add3A_132 = arith.addi %add3A_131, %mul3A_117 : i32
      %get3A_133 = arith.index_cast %add3A_132 : i32 to index
      %get3A_134 = tpu.vector_load %arg6[%get3A_133] {strides = array<i32>} : memref<16384xf32, #tpu.memory_space<vmem>>, vector<16xf32>,
      %add3A_135 = arith.addf %add3A_130, %get3A_134 : vector<16xf32>
      %add3A_136 = arith.constant 1024 : i32
      %add3A_137 = arith.addi %add3A_136, %mul3A_117 : i32
      %get3A_138 = arith.index_cast %add3A_137 : i32 to index
      %get3A_139 = tpu.vector_load %arg6[%get3A_138] {strides = array<i32>} : memref<16384xf32, #tpu.memory_space<vmem>>, vector<16xf32>,
      %add3A_140 = arith.addf %add3A_135, %get3A_139 : vector<16xf32>
      %add3A_141 = arith.constant 1280 : i32
      %add3A_142 = arith.addi %add3A_141, %mul3A_117 : i32
      %get3A_143 = arith.index_cast %add3A_142 : i32 to index
      %get3A_144 = tpu.vector_load %arg6[%get3A_143] {strides = array<i32>} : memref<16384xf32, #tpu.memory_space<vmem>>, vector<16xf32>,
      %add3A_145 = arith.addf %add3A_140, %get3A_144 : vector<16xf32>
      %add3A_146 = arith.constant 1536 : i32
      %add3A_147 = arith.addi %add3A_146, %mul3A_117 : i32
      %get3A_148 = arith.index_cast %add3A_147 : i32 to index
      %get3A_149 = tpu.vector_load %arg6[%get3A_148] {strides = array<i32>} : memref<16384xf32, #tpu.memory_space<vmem>>, vector<16xf32>,
      %add3A_150 = arith.addf %add3A_145, %get3A_149 : vector<16xf32>
      %add3A_151 = arith.constant 1792 : i32
      %add3A_152 = arith.addi %add3A_151, %mul3A_117 : i32
      %get3A_153 = arith.index_cast %add3A_152 : i32 to index
      %get3A_154 = tpu.vector_load %arg6[%get3A_153] {strides = array<i32>} : memref<16384xf32, #tpu.memory_space<vmem>>, vector<16xf32>,
      %add3A_155 = arith.addf %add3A_150, %get3A_154 : vector<16xf32>
      %add3A_156 = arith.constant 2048 : i32
      %add3A_157 = arith.addi %add3A_156, %mul3A_117 : i32
      %get3A_158 = arith.index_cast %add3A_157 : i32 to index
      %get3A_159 = tpu.vector_load %arg6[%get3A_158] {strides = array<i32>} : memref<16384xf32, #tpu.memory_space<vmem>>, vector<16xf32>,
      %add3A_160 = arith.addf %add3A_155, %get3A_159 : vector<16xf32>
      %add3A_161 = arith.constant 2304 : i32
      %add3A_162 = arith.addi %add3A_161, %mul3A_117 : i32
      %get3A_163 = arith.index_cast %add3A_162 : i32 to index
      %get3A_164 = tpu.vector_load %arg6[%get3A_163] {strides = array<i32>} : memref<16384xf32, #tpu.memory_space<vmem>>, vector<16xf32>,
      %add3A_165 = arith.addf %add3A_160, %get3A_164 : vector<16xf32>
      %add3A_166 = arith.constant 2560 : i32
      %add3A_167 = arith.addi %add3A_166, %mul3A_117 : i32
      %get3A_168 = arith.index_cast %add3A_167 : i32 to index
      %get3A_169 = tpu.vector_load %arg6[%get3A_168] {strides = array<i32>} : memref<16384xf32, #tpu.memory_space<vmem>>, vector<16xf32>,
      %add3A_170 = arith.addf %add3A_165, %get3A_169 : vector<16xf32>
      %add3A_171 = arith.constant 2816 : i32
      %add3A_172 = arith.addi %add3A_171, %mul3A_117 : i32
      %get3A_173 = arith.index_cast %add3A_172 : i32 to index
      %get3A_174 = tpu.vector_load %arg6[%get3A_173] {strides = array<i32>} : memref<16384xf32, #tpu.memory_space<vmem>>, vector<16xf32>,
      %add3A_175 = arith.addf %add3A_170, %get3A_174 : vector<16xf32>
      %add3A_176 = arith.constant 3072 : i32
      %add3A_177 = arith.addi %add3A_176, %mul3A_117 : i32
      %get3A_178 = arith.index_cast %add3A_177 : i32 to index
      %get3A_179 = tpu.vector_load %arg6[%get3A_178] {strides = array<i32>} : memref<16384xf32, #tpu.memory_space<vmem>>, vector<16xf32>,
      %add3A_180 = arith.addf %add3A_175, %get3A_179 : vector<16xf32>
      %add3A_181 = arith.constant 3328 : i32
      %add3A_182 = arith.addi %add3A_181, %mul3A_117 : i32
      %get3A_183 = arith.index_cast %add3A_182 : i32 to index
      %get3A_184 = tpu.vector_load %arg6[%get3A_183] {strides = array<i32>} : memref<16384xf32, #tpu.memory_space<vmem>>, vector<16xf32>,
      %add3A_185 = arith.addf %add3A_180, %get3A_184 : vector<16xf32>
      %add3A_186 = arith.constant 3584 : i32
      %add3A_187 = arith.addi %add3A_186, %mul3A_117 : i32
      %get3A_188 = arith.index_cast %add3A_187 : i32 to index
      %get3A_189 = tpu.vector_load %arg6[%get3A_188] {strides = array<i32>} : memref<16384xf32, #tpu.memory_space<vmem>>, vector<16xf32>,
      %add3A_190 = arith.addf %add3A_185, %get3A_189 : vector<16xf32>
      %add3A_191 = arith.constant 3840 : i32
      %add3A_192 = arith.addi %add3A_191, %mul3A_117 : i32
      %get3A_193 = arith.index_cast %add3A_192 : i32 to index
      %get3A_194 = tpu.vector_load %arg6[%get3A_193] {strides = array<i32>} : memref<16384xf32, #tpu.memory_space<vmem>>, vector<16xf32>,
      %add3A_195 = arith.addf %add3A_190, %get3A_194 : vector<16xf32>
      %add3A_196 = arith.constant 0 : i32
      %add3A_197 = arith.addi %add3A_196, %mul3A_117 : i32
      %swap3A = arith.index_cast %add3A_197 : i32 to index
      %swap3A_198 = tpu.vector_load %arg7[%swap3A] {strides = array<i32>} : memref<1024xf32, #tpu.memory_space<vmem>>, vector<16xf32>,
      tpu.vector_store %arg7[%swap3A], %add3A_195 {strides = array<i32>} : memref<1024xf32, #tpu.memory_space<vmem>>, vector<16xf32>,
    }
    %scan3A_68 = arith.constant 16 : i32
    %scan3A_69 = arith.constant 0 : i32
    %scan3A_70 = arith.constant 0 : i32
    %scan3A_71 = arith.constant 16 : i32
    %scan3A_72 = arith.addi %scan3A_70, %scan3A_71 : i32
    %scan3A_73 = arith.constant 1 : i32
    scf.for %scan3A_115 = %scan3A_70 to %scan3A_72 step %scan3A_73  : i32 {
      %mul3A_116 = arith.constant 16 : i32
      %mul3A_117 = arith.muli %scan3A_115, %mul3A_116 : i32
      %add3A_118 = arith.constant 4096 : i32
      %add3A_119 = arith.addi %add3A_118, %mul3A_117 : i32
      %get3A = arith.index_cast %add3A_119 : i32 to index
      %get3A_120 = tpu.vector_load %arg6[%get3A] {strides = array<i32>} : memref<16384xf32, #tpu.memory_space<vmem>>, vector<16xf32>,
      %add3A_121 = arith.constant 4352 : i32
      %add3A_122 = arith.addi %add3A_121, %mul3A_117 : i32
      %get3A_123 = arith.index_cast %add3A_122 : i32 to index
      %get3A_124 = tpu.vector_load %arg6[%get3A_123] {strides = array<i32>} : memref<16384xf32, #tpu.memory_space<vmem>>, vector<16xf32>,
      %add3A_125 = arith.addf %get3A_120, %get3A_124 : vector<16xf32>
      %add3A_126 = arith.constant 4608 : i32
      %add3A_127 = arith.addi %add3A_126, %mul3A_117 : i32
      %get3A_128 = arith.index_cast %add3A_127 : i32 to index
      %get3A_129 = tpu.vector_load %arg6[%get3A_128] {strides = array<i32>} : memref<16384xf32, #tpu.memory_space<vmem>>, vector<16xf32>,
      %add3A_130 = arith.addf %add3A_125, %get3A_129 : vector<16xf32>
      %add3A_131 = arith.constant 4864 : i32
      %add3A_132 = arith.addi %add3A_131, %mul3A_117 : i32
      %get3A_133 = arith.index_cast %add3A_132 : i32 to index
      %get3A_134 = tpu.vector_load %arg6[%get3A_133] {strides = array<i32>} : memref<16384xf32, #tpu.memory_space<vmem>>, vector<16xf32>,
      %add3A_135 = arith.addf %add3A_130, %get3A_134 : vector<16xf32>
      %add3A_136 = arith.constant 5120 : i32
      %add3A_137 = arith.addi %add3A_136, %mul3A_117 : i32
      %get3A_138 = arith.index_cast %add3A_137 : i32 to index
      %get3A_139 = tpu.vector_load %arg6[%get3A_138] {strides = array<i32>} : memref<16384xf32, #tpu.memory_space<vmem>>, vector<16xf32>,
      %add3A_140 = arith.addf %add3A_135, %get3A_139 : vector<16xf32>
      %add3A_141 = arith.constant 5376 : i32
      %add3A_142 = arith.addi %add3A_141, %mul3A_117 : i32
      %get3A_143 = arith.index_cast %add3A_142 : i32 to index
      %get3A_144 = tpu.vector_load %arg6[%get3A_143] {strides = array<i32>} : memref<16384xf32, #tpu.memory_space<vmem>>, vector<16xf32>,
      %add3A_145 = arith.addf %add3A_140, %get3A_144 : vector<16xf32>
      %add3A_146 = arith.constant 5632 : i32
      %add3A_147 = arith.addi %add3A_146, %mul3A_117 : i32
      %get3A_148 = arith.index_cast %add3A_147 : i32 to index
      %get3A_149 = tpu.vector_load %arg6[%get3A_148] {strides = array<i32>} : memref<16384xf32, #tpu.memory_space<vmem>>, vector<16xf32>,
      %add3A_150 = arith.addf %add3A_145, %get3A_149 : vector<16xf32>
      %add3A_151 = arith.constant 5888 : i32
      %add3A_152 = arith.addi %add3A_151, %mul3A_117 : i32
      %get3A_153 = arith.index_cast %add3A_152 : i32 to index
      %get3A_154 = tpu.vector_load %arg6[%get3A_153] {strides = array<i32>} : memref<16384xf32, #tpu.memory_space<vmem>>, vector<16xf32>,
      %add3A_155 = arith.addf %add3A_150, %get3A_154 : vector<16xf32>
      %add3A_156 = arith.constant 6144 : i32
      %add3A_157 = arith.addi %add3A_156, %mul3A_117 : i32
      %get3A_158 = arith.index_cast %add3A_157 : i32 to index
      %get3A_159 = tpu.vector_load %arg6[%get3A_158] {strides = array<i32>} : memref<16384xf32, #tpu.memory_space<vmem>>, vector<16xf32>,
      %add3A_160 = arith.addf %add3A_155, %get3A_159 : vector<16xf32>
      %add3A_161 = arith.constant 6400 : i32
      %add3A_162 = arith.addi %add3A_161, %mul3A_117 : i32
      %get3A_163 = arith.index_cast %add3A_162 : i32 to index
      %get3A_164 = tpu.vector_load %arg6[%get3A_163] {strides = array<i32>} : memref<16384xf32, #tpu.memory_space<vmem>>, vector<16xf32>,
      %add3A_165 = arith.addf %add3A_160, %get3A_164 : vector<16xf32>
      %add3A_166 = arith.constant 6656 : i32
      %add3A_167 = arith.addi %add3A_166, %mul3A_117 : i32
      %get3A_168 = arith.index_cast %add3A_167 : i32 to index
      %get3A_169 = tpu.vector_load %arg6[%get3A_168] {strides = array<i32>} : memref<16384xf32, #tpu.memory_space<vmem>>, vector<16xf32>,
      %add3A_170 = arith.addf %add3A_165, %get3A_169 : vector<16xf32>
      %add3A_171 = arith.constant 6912 : i32
      %add3A_172 = arith.addi %add3A_171, %mul3A_117 : i32
      %get3A_173 = arith.index_cast %add3A_172 : i32 to index
      %get3A_174 = tpu.vector_load %arg6[%get3A_173] {strides = array<i32>} : memref<16384xf32, #tpu.memory_space<vmem>>, vector<16xf32>,
      %add3A_175 = arith.addf %add3A_170, %get3A_174 : vector<16xf32>
      %add3A_176 = arith.constant 7168 : i32
      %add3A_177 = arith.addi %add3A_176, %mul3A_117 : i32
      %get3A_178 = arith.index_cast %add3A_177 : i32 to index
      %get3A_179 = tpu.vector_load %arg6[%get3A_178] {strides = array<i32>} : memref<16384xf32, #tpu.memory_space<vmem>>, vector<16xf32>,
      %add3A_180 = arith.addf %add3A_175, %get3A_179 : vector<16xf32>
      %add3A_181 = arith.constant 7424 : i32
      %add3A_182 = arith.addi %add3A_181, %mul3A_117 : i32
      %get3A_183 = arith.index_cast %add3A_182 : i32 to index
      %get3A_184 = tpu.vector_load %arg6[%get3A_183] {strides = array<i32>} : memref<16384xf32, #tpu.memory_space<vmem>>, vector<16xf32>,
      %add3A_185 = arith.addf %add3A_180, %get3A_184 : vector<16xf32>
      %add3A_186 = arith.constant 7680 : i32
      %add3A_187 = arith.addi %add3A_186, %mul3A_117 : i32
      %get3A_188 = arith.index_cast %add3A_187 : i32 to index
      %get3A_189 = tpu.vector_load %arg6[%get3A_188] {strides = array<i32>} : memref<16384xf32, #tpu.memory_space<vmem>>, vector<16xf32>,
      %add3A_190 = arith.addf %add3A_185, %get3A_189 : vector<16xf32>
      %add3A_191 = arith.constant 7936 : i32
      %add3A_192 = arith.addi %add3A_191, %mul3A_117 : i32
      %get3A_193 = arith.index_cast %add3A_192 : i32 to index
      %get3A_194 = tpu.vector_load %arg6[%get3A_193] {strides = array<i32>} : memref<16384xf32, #tpu.memory_space<vmem>>, vector<16xf32>,
      %add3A_195 = arith.addf %add3A_190, %get3A_194 : vector<16xf32>
      %add3A_196 = arith.constant 256 : i32
      %add3A_197 = arith.addi %add3A_196, %mul3A_117 : i32
      %swap3A = arith.index_cast %add3A_197 : i32 to index
      %swap3A_198 = tpu.vector_load %arg7[%swap3A] {strides = array<i32>} : memref<1024xf32, #tpu.memory_space<vmem>>, vector<16xf32>,
      tpu.vector_store %arg7[%swap3A], %add3A_195 {strides = array<i32>} : memref<1024xf32, #tpu.memory_space<vmem>>, vector<16xf32>,
    }
    %scan3A_74 = arith.constant 16 : i32
    %scan3A_75 = arith.constant 0 : i32
    %scan3A_76 = arith.constant 0 : i32
    %scan3A_77 = arith.constant 16 : i32
    %scan3A_78 = arith.addi %scan3A_76, %scan3A_77 : i32
    %scan3A_79 = arith.constant 1 : i32
    scf.for %scan3A_115 = %scan3A_76 to %scan3A_78 step %scan3A_79  : i32 {
      %mul3A_116 = arith.constant 16 : i32
      %mul3A_117 = arith.muli %scan3A_115, %mul3A_116 : i32
      %add3A_118 = arith.constant 8192 : i32
      %add3A_119 = arith.addi %add3A_118, %mul3A_117 : i32
      %get3A = arith.index_cast %add3A_119 : i32 to index
      %get3A_120 = tpu.vector_load %arg6[%get3A] {strides = array<i32>} : memref<16384xf32, #tpu.memory_space<vmem>>, vector<16xf32>,
      %add3A_121 = arith.constant 8448 : i32
      %add3A_122 = arith.addi %add3A_121, %mul3A_117 : i32
      %get3A_123 = arith.index_cast %add3A_122 : i32 to index
      %get3A_124 = tpu.vector_load %arg6[%get3A_123] {strides = array<i32>} : memref<16384xf32, #tpu.memory_space<vmem>>, vector<16xf32>,
      %add3A_125 = arith.addf %get3A_120, %get3A_124 : vector<16xf32>
      %add3A_126 = arith.constant 8704 : i32
      %add3A_127 = arith.addi %add3A_126, %mul3A_117 : i32
      %get3A_128 = arith.index_cast %add3A_127 : i32 to index
      %get3A_129 = tpu.vector_load %arg6[%get3A_128] {strides = array<i32>} : memref<16384xf32, #tpu.memory_space<vmem>>, vector<16xf32>,
      %add3A_130 = arith.addf %add3A_125, %get3A_129 : vector<16xf32>
      %add3A_131 = arith.constant 8960 : i32
      %add3A_132 = arith.addi %add3A_131, %mul3A_117 : i32
      %get3A_133 = arith.index_cast %add3A_132 : i32 to index
      %get3A_134 = tpu.vector_load %arg6[%get3A_133] {strides = array<i32>} : memref<16384xf32, #tpu.memory_space<vmem>>, vector<16xf32>,
      %add3A_135 = arith.addf %add3A_130, %get3A_134 : vector<16xf32>
      %add3A_136 = arith.constant 9216 : i32
      %add3A_137 = arith.addi %add3A_136, %mul3A_117 : i32
      %get3A_138 = arith.index_cast %add3A_137 : i32 to index
      %get3A_139 = tpu.vector_load %arg6[%get3A_138] {strides = array<i32>} : memref<16384xf32, #tpu.memory_space<vmem>>, vector<16xf32>,
      %add3A_140 = arith.addf %add3A_135, %get3A_139 : vector<16xf32>
      %add3A_141 = arith.constant 9472 : i32
      %add3A_142 = arith.addi %add3A_141, %mul3A_117 : i32
      %get3A_143 = arith.index_cast %add3A_142 : i32 to index
      %get3A_144 = tpu.vector_load %arg6[%get3A_143] {strides = array<i32>} : memref<16384xf32, #tpu.memory_space<vmem>>, vector<16xf32>,
      %add3A_145 = arith.addf %add3A_140, %get3A_144 : vector<16xf32>
      %add3A_146 = arith.constant 9728 : i32
      %add3A_147 = arith.addi %add3A_146, %mul3A_117 : i32
      %get3A_148 = arith.index_cast %add3A_147 : i32 to index
      %get3A_149 = tpu.vector_load %arg6[%get3A_148] {strides = array<i32>} : memref<16384xf32, #tpu.memory_space<vmem>>, vector<16xf32>,
      %add3A_150 = arith.addf %add3A_145, %get3A_149 : vector<16xf32>
      %add3A_151 = arith.constant 9984 : i32
      %add3A_152 = arith.addi %add3A_151, %mul3A_117 : i32
      %get3A_153 = arith.index_cast %add3A_152 : i32 to index
      %get3A_154 = tpu.vector_load %arg6[%get3A_153] {strides = array<i32>} : memref<16384xf32, #tpu.memory_space<vmem>>, vector<16xf32>,
      %add3A_155 = arith.addf %add3A_150, %get3A_154 : vector<16xf32>
      %add3A_156 = arith.constant 10240 : i32
      %add3A_157 = arith.addi %add3A_156, %mul3A_117 : i32
      %get3A_158 = arith.index_cast %add3A_157 : i32 to index
      %get3A_159 = tpu.vector_load %arg6[%get3A_158] {strides = array<i32>} : memref<16384xf32, #tpu.memory_space<vmem>>, vector<16xf32>,
      %add3A_160 = arith.addf %add3A_155, %get3A_159 : vector<16xf32>
      %add3A_161 = arith.constant 10496 : i32
      %add3A_162 = arith.addi %add3A_161, %mul3A_117 : i32
      %get3A_163 = arith.index_cast %add3A_162 : i32 to index
      %get3A_164 = tpu.vector_load %arg6[%get3A_163] {strides = array<i32>} : memref<16384xf32, #tpu.memory_space<vmem>>, vector<16xf32>,
      %add3A_165 = arith.addf %add3A_160, %get3A_164 : vector<16xf32>
      %add3A_166 = arith.constant 10752 : i32
      %add3A_167 = arith.addi %add3A_166, %mul3A_117 : i32
      %get3A_168 = arith.index_cast %add3A_167 : i32 to index
      %get3A_169 = tpu.vector_load %arg6[%get3A_168] {strides = array<i32>} : memref<16384xf32, #tpu.memory_space<vmem>>, vector<16xf32>,
      %add3A_170 = arith.addf %add3A_165, %get3A_169 : vector<16xf32>
      %add3A_171 = arith.constant 11008 : i32
      %add3A_172 = arith.addi %add3A_171, %mul3A_117 : i32
      %get3A_173 = arith.index_cast %add3A_172 : i32 to index
      %get3A_174 = tpu.vector_load %arg6[%get3A_173] {strides = array<i32>} : memref<16384xf32, #tpu.memory_space<vmem>>, vector<16xf32>,
      %add3A_175 = arith.addf %add3A_170, %get3A_174 : vector<16xf32>
      %add3A_176 = arith.constant 11264 : i32
      %add3A_177 = arith.addi %add3A_176, %mul3A_117 : i32
      %get3A_178 = arith.index_cast %add3A_177 : i32 to index
      %get3A_179 = tpu.vector_load %arg6[%get3A_178] {strides = array<i32>} : memref<16384xf32, #tpu.memory_space<vmem>>, vector<16xf32>,
      %add3A_180 = arith.addf %add3A_175, %get3A_179 : vector<16xf32>
      %add3A_181 = arith.constant 11520 : i32
      %add3A_182 = arith.addi %add3A_181, %mul3A_117 : i32
      %get3A_183 = arith.index_cast %add3A_182 : i32 to index
      %get3A_184 = tpu.vector_load %arg6[%get3A_183] {strides = array<i32>} : memref<16384xf32, #tpu.memory_space<vmem>>, vector<16xf32>,
      %add3A_185 = arith.addf %add3A_180, %get3A_184 : vector<16xf32>
      %add3A_186 = arith.constant 11776 : i32
      %add3A_187 = arith.addi %add3A_186, %mul3A_117 : i32
      %get3A_188 = arith.index_cast %add3A_187 : i32 to index
      %get3A_189 = tpu.vector_load %arg6[%get3A_188] {strides = array<i32>} : memref<16384xf32, #tpu.memory_space<vmem>>, vector<16xf32>,
      %add3A_190 = arith.addf %add3A_185, %get3A_189 : vector<16xf32>
      %add3A_191 = arith.constant 12032 : i32
      %add3A_192 = arith.addi %add3A_191, %mul3A_117 : i32
      %get3A_193 = arith.index_cast %add3A_192 : i32 to index
      %get3A_194 = tpu.vector_load %arg6[%get3A_193] {strides = array<i32>} : memref<16384xf32, #tpu.memory_space<vmem>>, vector<16xf32>,
      %add3A_195 = arith.addf %add3A_190, %get3A_194 : vector<16xf32>
      %add3A_196 = arith.constant 512 : i32
      %add3A_197 = arith.addi %add3A_196, %mul3A_117 : i32
      %swap3A = arith.index_cast %add3A_197 : i32 to index
      %swap3A_198 = tpu.vector_load %arg7[%swap3A] {strides = array<i32>} : memref<1024xf32, #tpu.memory_space<vmem>>, vector<16xf32>,
      tpu.vector_store %arg7[%swap3A], %add3A_195 {strides = array<i32>} : memref<1024xf32, #tpu.memory_space<vmem>>, vector<16xf32>,
    }
    %scan3A_80 = arith.constant 16 : i32
    %scan3A_81 = arith.constant 0 : i32
    %scan3A_82 = arith.constant 0 : i32
    %scan3A_83 = arith.constant 16 : i32
    %scan3A_84 = arith.addi %scan3A_82, %scan3A_83 : i32
    %scan3A_85 = arith.constant 1 : i32
    scf.for %scan3A_115 = %scan3A_82 to %scan3A_84 step %scan3A_85  : i32 {
      %mul3A_116 = arith.constant 16 : i32
      %mul3A_117 = arith.muli %scan3A_115, %mul3A_116 : i32
      %add3A_118 = arith.constant 12288 : i32
      %add3A_119 = arith.addi %add3A_118, %mul3A_117 : i32
      %get3A = arith.index_cast %add3A_119 : i32 to index
      %get3A_120 = tpu.vector_load %arg6[%get3A] {strides = array<i32>} : memref<16384xf32, #tpu.memory_space<vmem>>, vector<16xf32>,
      %add3A_121 = arith.constant 12544 : i32
      %add3A_122 = arith.addi %add3A_121, %mul3A_117 : i32
      %get3A_123 = arith.index_cast %add3A_122 : i32 to index
      %get3A_124 = tpu.vector_load %arg6[%get3A_123] {strides = array<i32>} : memref<16384xf32, #tpu.memory_space<vmem>>, vector<16xf32>,
      %add3A_125 = arith.addf %get3A_120, %get3A_124 : vector<16xf32>
      %add3A_126 = arith.constant 12800 : i32
      %add3A_127 = arith.addi %add3A_126, %mul3A_117 : i32
      %get3A_128 = arith.index_cast %add3A_127 : i32 to index
      %get3A_129 = tpu.vector_load %arg6[%get3A_128] {strides = array<i32>} : memref<16384xf32, #tpu.memory_space<vmem>>, vector<16xf32>,
      %add3A_130 = arith.addf %add3A_125, %get3A_129 : vector<16xf32>
      %add3A_131 = arith.constant 13056 : i32
      %add3A_132 = arith.addi %add3A_131, %mul3A_117 : i32
      %get3A_133 = arith.index_cast %add3A_132 : i32 to index
      %get3A_134 = tpu.vector_load %arg6[%get3A_133] {strides = array<i32>} : memref<16384xf32, #tpu.memory_space<vmem>>, vector<16xf32>,
      %add3A_135 = arith.addf %add3A_130, %get3A_134 : vector<16xf32>
      %add3A_136 = arith.constant 13312 : i32
      %add3A_137 = arith.addi %add3A_136, %mul3A_117 : i32
      %get3A_138 = arith.index_cast %add3A_137 : i32 to index
      %get3A_139 = tpu.vector_load %arg6[%get3A_138] {strides = array<i32>} : memref<16384xf32, #tpu.memory_space<vmem>>, vector<16xf32>,
      %add3A_140 = arith.addf %add3A_135, %get3A_139 : vector<16xf32>
      %add3A_141 = arith.constant 13568 : i32
      %add3A_142 = arith.addi %add3A_141, %mul3A_117 : i32
      %get3A_143 = arith.index_cast %add3A_142 : i32 to index
      %get3A_144 = tpu.vector_load %arg6[%get3A_143] {strides = array<i32>} : memref<16384xf32, #tpu.memory_space<vmem>>, vector<16xf32>,
      %add3A_145 = arith.addf %add3A_140, %get3A_144 : vector<16xf32>
      %add3A_146 = arith.constant 13824 : i32
      %add3A_147 = arith.addi %add3A_146, %mul3A_117 : i32
      %get3A_148 = arith.index_cast %add3A_147 : i32 to index
      %get3A_149 = tpu.vector_load %arg6[%get3A_148] {strides = array<i32>} : memref<16384xf32, #tpu.memory_space<vmem>>, vector<16xf32>,
      %add3A_150 = arith.addf %add3A_145, %get3A_149 : vector<16xf32>
      %add3A_151 = arith.constant 14080 : i32
      %add3A_152 = arith.addi %add3A_151, %mul3A_117 : i32
      %get3A_153 = arith.index_cast %add3A_152 : i32 to index
      %get3A_154 = tpu.vector_load %arg6[%get3A_153] {strides = array<i32>} : memref<16384xf32, #tpu.memory_space<vmem>>, vector<16xf32>,
      %add3A_155 = arith.addf %add3A_150, %get3A_154 : vector<16xf32>
      %add3A_156 = arith.constant 14336 : i32
      %add3A_157 = arith.addi %add3A_156, %mul3A_117 : i32
      %get3A_158 = arith.index_cast %add3A_157 : i32 to index
      %get3A_159 = tpu.vector_load %arg6[%get3A_158] {strides = array<i32>} : memref<16384xf32, #tpu.memory_space<vmem>>, vector<16xf32>,
      %add3A_160 = arith.addf %add3A_155, %get3A_159 : vector<16xf32>
      %add3A_161 = arith.constant 14592 : i32
      %add3A_162 = arith.addi %add3A_161, %mul3A_117 : i32
      %get3A_163 = arith.index_cast %add3A_162 : i32 to index
      %get3A_164 = tpu.vector_load %arg6[%get3A_163] {strides = array<i32>} : memref<16384xf32, #tpu.memory_space<vmem>>, vector<16xf32>,
      %add3A_165 = arith.addf %add3A_160, %get3A_164 : vector<16xf32>
      %add3A_166 = arith.constant 14848 : i32
      %add3A_167 = arith.addi %add3A_166, %mul3A_117 : i32
      %get3A_168 = arith.index_cast %add3A_167 : i32 to index
      %get3A_169 = tpu.vector_load %arg6[%get3A_168] {strides = array<i32>} : memref<16384xf32, #tpu.memory_space<vmem>>, vector<16xf32>,
      %add3A_170 = arith.addf %add3A_165, %get3A_169 : vector<16xf32>
      %add3A_171 = arith.constant 15104 : i32
      %add3A_172 = arith.addi %add3A_171, %mul3A_117 : i32
      %get3A_173 = arith.index_cast %add3A_172 : i32 to index
      %get3A_174 = tpu.vector_load %arg6[%get3A_173] {strides = array<i32>} : memref<16384xf32, #tpu.memory_space<vmem>>, vector<16xf32>,
      %add3A_175 = arith.addf %add3A_170, %get3A_174 : vector<16xf32>
      %add3A_176 = arith.constant 15360 : i32
      %add3A_177 = arith.addi %add3A_176, %mul3A_117 : i32
      %get3A_178 = arith.index_cast %add3A_177 : i32 to index
      %get3A_179 = tpu.vector_load %arg6[%get3A_178] {strides = array<i32>} : memref<16384xf32, #tpu.memory_space<vmem>>, vector<16xf32>,
      %add3A_180 = arith.addf %add3A_175, %get3A_179 : vector<16xf32>
      %add3A_181 = arith.constant 15616 : i32
      %add3A_182 = arith.addi %add3A_181, %mul3A_117 : i32
      %get3A_183 = arith.index_cast %add3A_182 : i32 to index
      %get3A_184 = tpu.vector_load %arg6[%get3A_183] {strides = array<i32>} : memref<16384xf32, #tpu.memory_space<vmem>>, vector<16xf32>,
      %add3A_185 = arith.addf %add3A_180, %get3A_184 : vector<16xf32>
      %add3A_186 = arith.constant 15872 : i32
      %add3A_187 = arith.addi %add3A_186, %mul3A_117 : i32
      %get3A_188 = arith.index_cast %add3A_187 : i32 to index
      %get3A_189 = tpu.vector_load %arg6[%get3A_188] {strides = array<i32>} : memref<16384xf32, #tpu.memory_space<vmem>>, vector<16xf32>,
      %add3A_190 = arith.addf %add3A_185, %get3A_189 : vector<16xf32>
      %add3A_191 = arith.constant 16128 : i32
      %add3A_192 = arith.addi %add3A_191, %mul3A_117 : i32
      %get3A_193 = arith.index_cast %add3A_192 : i32 to index
      %get3A_194 = tpu.vector_load %arg6[%get3A_193] {strides = array<i32>} : memref<16384xf32, #tpu.memory_space<vmem>>, vector<16xf32>,
      %add3A_195 = arith.addf %add3A_190, %get3A_194 : vector<16xf32>
      %add3A_196 = arith.constant 768 : i32
      %add3A_197 = arith.addi %add3A_196, %mul3A_117 : i32
      %swap3A = arith.index_cast %add3A_197 : i32 to index
      %swap3A_198 = tpu.vector_load %arg7[%swap3A] {strides = array<i32>} : memref<1024xf32, #tpu.memory_space<vmem>>, vector<16xf32>,
      tpu.vector_store %arg7[%swap3A], %add3A_195 {strides = array<i32>} : memref<1024xf32, #tpu.memory_space<vmem>>, vector<16xf32>,
    }
    %scan3A_86 = arith.constant 16 : i32
    %mul3A_87 = arith.constant 512 : i32
    %mul3A_88 = arith.muli %add3A, %mul3A_87 : i32
    %add3A_89 = arith.constant 0 : i32
    %add3A_90 = arith.addi %add3A_89, %mul3A_88 : i32
    %add3A_91 = arith.constant 0 : i32
    %add3A_92 = arith.addi %add3A_90, %add3A_91 : i32
    %multiple_of3A_93 = tpu.assume_multiple %add3A_92, 256 : i32
    "tpu.region"() ({
      %run_scoped3A = tpu.sem_alloc : memref<!tpu.dma_semaphore, #tpu.memory_space<semaphore_mem>>
      %dma_start3A_115 = arith.constant 0 : i32
      %dma_start3A_116 = tpu.memref_slice %arg7[%dma_start3A_115] : memref<1024xf32, #tpu.memory_space<vmem>> -> memref<256xf32, #tpu.memory_space<vmem>>
      %dma_start3A_117 = tpu.memref_slice %arg4[%multiple_of3A_93] : memref<32768xf32, #tpu.memory_space<hbm>> -> memref<256xf32, #tpu.memory_space<hbm>>
      %dma_start3A_118 = tpu.memref_slice %arg4[%multiple_of3A_93] : memref<32768xf32, #tpu.memory_space<hbm>> -> memref<256xf32, #tpu.memory_space<hbm>>
      %dma_start3A_119 = arith.constant 0 : i32
      %dma_start3A_120 = tpu.memref_slice %arg7[%dma_start3A_119] : memref<1024xf32, #tpu.memory_space<vmem>> -> memref<256xf32, #tpu.memory_space<vmem>>
      tpu.enqueue_dma source(%dma_start3A_120 : memref<256xf32, #tpu.memory_space<vmem>>) target(%dma_start3A_118 : memref<256xf32, #tpu.memory_space<hbm>>) target_semaphore(%run_scoped3A : memref<!tpu.dma_semaphore, #tpu.memory_space<semaphore_mem>>)
      %dma_wait3A = arith.constant 0 : i32
      %dma_wait3A_121 = tpu.memref_slice %arg7[%dma_wait3A] : memref<1024xf32, #tpu.memory_space<vmem>> -> memref<256xf32, #tpu.memory_space<vmem>>
      %dma_wait3A_122 = tpu.memref_slice %arg4[%multiple_of3A_93] : memref<32768xf32, #tpu.memory_space<hbm>> -> memref<256xf32, #tpu.memory_space<hbm>>
      %dma_wait3A_123 = tpu.memref_slice %arg4[%multiple_of3A_93] : memref<32768xf32, #tpu.memory_space<hbm>> -> memref<256xf32, #tpu.memory_space<hbm>>
      %dma_wait3A_124 = arith.constant 0 : i32
      %dma_wait3A_125 = tpu.memref_slice %arg7[%dma_wait3A_124] : memref<1024xf32, #tpu.memory_space<vmem>> -> memref<256xf32, #tpu.memory_space<vmem>>
      tpu.wait_dma2 semaphore(%run_scoped3A : memref<!tpu.dma_semaphore, #tpu.memory_space<semaphore_mem>>) src(%dma_wait3A_125 : memref<256xf32, #tpu.memory_space<vmem>>) dst(%dma_wait3A_123 : memref<256xf32, #tpu.memory_space<hbm>>)
      tpu.yield
    }) : () -> ()
    %mul3A_94 = arith.constant 512 : i32
    %mul3A_95 = arith.muli %add3A, %mul3A_94 : i32
    %add3A_96 = arith.constant 0 : i32
    %add3A_97 = arith.addi %add3A_96, %mul3A_95 : i32
    %add3A_98 = arith.constant 256 : i32
    %add3A_99 = arith.addi %add3A_97, %add3A_98 : i32
    %multiple_of3A_100 = tpu.assume_multiple %add3A_99, 256 : i32
    "tpu.region"() ({
      %run_scoped3A = tpu.sem_alloc : memref<!tpu.dma_semaphore, #tpu.memory_space<semaphore_mem>>
      %dma_start3A_115 = arith.constant 256 : i32
      %dma_start3A_116 = tpu.memref_slice %arg7[%dma_start3A_115] : memref<1024xf32, #tpu.memory_space<vmem>> -> memref<256xf32, #tpu.memory_space<vmem>>
      %dma_start3A_117 = tpu.memref_slice %arg4[%multiple_of3A_100] : memref<32768xf32, #tpu.memory_space<hbm>> -> memref<256xf32, #tpu.memory_space<hbm>>
      %dma_start3A_118 = tpu.memref_slice %arg4[%multiple_of3A_100] : memref<32768xf32, #tpu.memory_space<hbm>> -> memref<256xf32, #tpu.memory_space<hbm>>
      %dma_start3A_119 = arith.constant 256 : i32
      %dma_start3A_120 = tpu.memref_slice %arg7[%dma_start3A_119] : memref<1024xf32, #tpu.memory_space<vmem>> -> memref<256xf32, #tpu.memory_space<vmem>>
      tpu.enqueue_dma source(%dma_start3A_120 : memref<256xf32, #tpu.memory_space<vmem>>) target(%dma_start3A_118 : memref<256xf32, #tpu.memory_space<hbm>>) target_semaphore(%run_scoped3A : memref<!tpu.dma_semaphore, #tpu.memory_space<semaphore_mem>>)
      %dma_wait3A = arith.constant 256 : i32
      %dma_wait3A_121 = tpu.memref_slice %arg7[%dma_wait3A] : memref<1024xf32, #tpu.memory_space<vmem>> -> memref<256xf32, #tpu.memory_space<vmem>>
      %dma_wait3A_122 = tpu.memref_slice %arg4[%multiple_of3A_100] : memref<32768xf32, #tpu.memory_space<hbm>> -> memref<256xf32, #tpu.memory_space<hbm>>
      %dma_wait3A_123 = tpu.memref_slice %arg4[%multiple_of3A_100] : memref<32768xf32, #tpu.memory_space<hbm>> -> memref<256xf32, #tpu.memory_space<hbm>>
      %dma_wait3A_124 = arith.constant 256 : i32
      %dma_wait3A_125 = tpu.memref_slice %arg7[%dma_wait3A_124] : memref<1024xf32, #tpu.memory_space<vmem>> -> memref<256xf32, #tpu.memory_space<vmem>>
      tpu.wait_dma2 semaphore(%run_scoped3A : memref<!tpu.dma_semaphore, #tpu.memory_space<semaphore_mem>>) src(%dma_wait3A_125 : memref<256xf32, #tpu.memory_space<vmem>>) dst(%dma_wait3A_123 : memref<256xf32, #tpu.memory_space<hbm>>)
      tpu.yield
    }) : () -> ()
    %mul3A_101 = arith.constant 512 : i32
    %mul3A_102 = arith.muli %add3A, %mul3A_101 : i32
    %add3A_103 = arith.constant 16384 : i32
    %add3A_104 = arith.addi %add3A_103, %mul3A_102 : i32
    %add3A_105 = arith.constant 0 : i32
    %add3A_106 = arith.addi %add3A_104, %add3A_105 : i32
    %multiple_of3A_107 = tpu.assume_multiple %add3A_106, 256 : i32
    "tpu.region"() ({
      %run_scoped3A = tpu.sem_alloc : memref<!tpu.dma_semaphore, #tpu.memory_space<semaphore_mem>>
      %dma_start3A_115 = arith.constant 512 : i32
      %dma_start3A_116 = tpu.memref_slice %arg7[%dma_start3A_115] : memref<1024xf32, #tpu.memory_space<vmem>> -> memref<256xf32, #tpu.memory_space<vmem>>
      %dma_start3A_117 = tpu.memref_slice %arg4[%multiple_of3A_107] : memref<32768xf32, #tpu.memory_space<hbm>> -> memref<256xf32, #tpu.memory_space<hbm>>
      %dma_start3A_118 = tpu.memref_slice %arg4[%multiple_of3A_107] : memref<32768xf32, #tpu.memory_space<hbm>> -> memref<256xf32, #tpu.memory_space<hbm>>
      %dma_start3A_119 = arith.constant 512 : i32
      %dma_start3A_120 = tpu.memref_slice %arg7[%dma_start3A_119] : memref<1024xf32, #tpu.memory_space<vmem>> -> memref<256xf32, #tpu.memory_space<vmem>>
      tpu.enqueue_dma source(%dma_start3A_120 : memref<256xf32, #tpu.memory_space<vmem>>) target(%dma_start3A_118 : memref<256xf32, #tpu.memory_space<hbm>>) target_semaphore(%run_scoped3A : memref<!tpu.dma_semaphore, #tpu.memory_space<semaphore_mem>>)
      %dma_wait3A = arith.constant 512 : i32
      %dma_wait3A_121 = tpu.memref_slice %arg7[%dma_wait3A] : memref<1024xf32, #tpu.memory_space<vmem>> -> memref<256xf32, #tpu.memory_space<vmem>>
      %dma_wait3A_122 = tpu.memref_slice %arg4[%multiple_of3A_107] : memref<32768xf32, #tpu.memory_space<hbm>> -> memref<256xf32, #tpu.memory_space<hbm>>
      %dma_wait3A_123 = tpu.memref_slice %arg4[%multiple_of3A_107] : memref<32768xf32, #tpu.memory_space<hbm>> -> memref<256xf32, #tpu.memory_space<hbm>>
      %dma_wait3A_124 = arith.constant 512 : i32
      %dma_wait3A_125 = tpu.memref_slice %arg7[%dma_wait3A_124] : memref<1024xf32, #tpu.memory_space<vmem>> -> memref<256xf32, #tpu.memory_space<vmem>>
      tpu.wait_dma2 semaphore(%run_scoped3A : memref<!tpu.dma_semaphore, #tpu.memory_space<semaphore_mem>>) src(%dma_wait3A_125 : memref<256xf32, #tpu.memory_space<vmem>>) dst(%dma_wait3A_123 : memref<256xf32, #tpu.memory_space<hbm>>)
      tpu.yield
    }) : () -> ()
    %mul3A_108 = arith.constant 512 : i32
    %mul3A_109 = arith.muli %add3A, %mul3A_108 : i32
    %add3A_110 = arith.constant 16384 : i32
    %add3A_111 = arith.addi %add3A_110, %mul3A_109 : i32
    %add3A_112 = arith.constant 256 : i32
    %add3A_113 = arith.addi %add3A_111, %add3A_112 : i32
    %multiple_of3A_114 = tpu.assume_multiple %add3A_113, 256 : i32
    "tpu.region"() ({
      %run_scoped3A = tpu.sem_alloc : memref<!tpu.dma_semaphore, #tpu.memory_space<semaphore_mem>>
      %dma_start3A_115 = arith.constant 768 : i32
      %dma_start3A_116 = tpu.memref_slice %arg7[%dma_start3A_115] : memref<1024xf32, #tpu.memory_space<vmem>> -> memref<256xf32, #tpu.memory_space<vmem>>
      %dma_start3A_117 = tpu.memref_slice %arg4[%multiple_of3A_114] : memref<32768xf32, #tpu.memory_space<hbm>> -> memref<256xf32, #tpu.memory_space<hbm>>
      %dma_start3A_118 = tpu.memref_slice %arg4[%multiple_of3A_114] : memref<32768xf32, #tpu.memory_space<hbm>> -> memref<256xf32, #tpu.memory_space<hbm>>
      %dma_start3A_119 = arith.constant 768 : i32
      %dma_start3A_120 = tpu.memref_slice %arg7[%dma_start3A_119] : memref<1024xf32, #tpu.memory_space<vmem>> -> memref<256xf32, #tpu.memory_space<vmem>>
      tpu.enqueue_dma source(%dma_start3A_120 : memref<256xf32, #tpu.memory_space<vmem>>) target(%dma_start3A_118 : memref<256xf32, #tpu.memory_space<hbm>>) target_semaphore(%run_scoped3A : memref<!tpu.dma_semaphore, #tpu.memory_space<semaphore_mem>>)
      %dma_wait3A = arith.constant 768 : i32
      %dma_wait3A_121 = tpu.memref_slice %arg7[%dma_wait3A] : memref<1024xf32, #tpu.memory_space<vmem>> -> memref<256xf32, #tpu.memory_space<vmem>>
      %dma_wait3A_122 = tpu.memref_slice %arg4[%multiple_of3A_114] : memref<32768xf32, #tpu.memory_space<hbm>> -> memref<256xf32, #tpu.memory_space<hbm>>
      %dma_wait3A_123 = tpu.memref_slice %arg4[%multiple_of3A_114] : memref<32768xf32, #tpu.memory_space<hbm>> -> memref<256xf32, #tpu.memory_space<hbm>>
      %dma_wait3A_124 = arith.constant 768 : i32
      %dma_wait3A_125 = tpu.memref_slice %arg7[%dma_wait3A_124] : memref<1024xf32, #tpu.memory_space<vmem>> -> memref<256xf32, #tpu.memory_space<vmem>>
      tpu.wait_dma2 semaphore(%run_scoped3A : memref<!tpu.dma_semaphore, #tpu.memory_space<semaphore_mem>>) src(%dma_wait3A_125 : memref<256xf32, #tpu.memory_space<vmem>>) dst(%dma_wait3A_123 : memref<256xf32, #tpu.memory_space<hbm>>)
      tpu.yield
    }) : () -> ()
    return
  }
}

module attributes {stable_mosaic.version = 14 : i64} {
  func.func @_chi_body(%arg0: memref<16x256xf32, #tpu.memory_space<vmem>>, %arg1: memref<16x256xf32, #tpu.memory_space<vmem>>, %arg2: memref<16x256xf32, #tpu.memory_space<vmem>>, %arg3: memref<16x256xf32, #tpu.memory_space<vmem>>, %arg4: memref<16x256xf32, #tpu.memory_space<vmem>>, %arg5: memref<16x256xf32, #tpu.memory_space<vmem>>, %arg6: memref<16x256xf32, #tpu.memory_space<vmem>>, %arg7: memref<16x256xf32, #tpu.memory_space<vmem>>, %arg8: memref<1x1xf32, #tpu.memory_space<smem>>) attributes {dimension_semantics = [], scalar_prefetch = 0 : i64, scratch_operands = 0 : i64, tpu.core_type = #tpu.core_type<tc>} {
    %get3A = arith.constant 0 : index
    %get3A_0 = arith.constant 0 : index
    %get3A_1 = vector.load %arg0[%get3A, %get3A_0] : memref<16x256xf32, #tpu.memory_space<vmem>>, vector<16x256xf32>
    %get3A_2 = arith.constant 0 : index
    %get3A_3 = arith.constant 0 : index
    %get3A_4 = vector.load %arg1[%get3A_2, %get3A_3] : memref<16x256xf32, #tpu.memory_space<vmem>>, vector<16x256xf32>
    %get3A_5 = arith.constant 0 : index
    %get3A_6 = arith.constant 0 : index
    %get3A_7 = vector.load %arg2[%get3A_5, %get3A_6] : memref<16x256xf32, #tpu.memory_space<vmem>>, vector<16x256xf32>
    %add3A = arith.addf %get3A_4, %get3A_7 : vector<16x256xf32>
    %get3A_8 = arith.constant 0 : index
    %get3A_9 = arith.constant 0 : index
    %get3A_10 = vector.load %arg3[%get3A_8, %get3A_9] : memref<16x256xf32, #tpu.memory_space<vmem>>, vector<16x256xf32>
    %get3A_11 = arith.constant 0 : index
    %get3A_12 = arith.constant 0 : index
    %get3A_13 = vector.load %arg4[%get3A_11, %get3A_12] : memref<16x256xf32, #tpu.memory_space<vmem>>, vector<16x256xf32>
    %get3A_14 = arith.constant 0 : index
    %get3A_15 = arith.constant 0 : index
    %get3A_16 = vector.load %arg5[%get3A_14, %get3A_15] : memref<16x256xf32, #tpu.memory_space<vmem>>, vector<16x256xf32>
    %get3A_17 = arith.constant 0 : index
    %get3A_18 = arith.constant 0 : index
    %get3A_19 = vector.load %arg6[%get3A_17, %get3A_18] : memref<16x256xf32, #tpu.memory_space<vmem>>, vector<16x256xf32>
    %add3A_20 = arith.addf %get3A_16, %get3A_19 : vector<16x256xf32>
    %get3A_21 = arith.constant 0 : index
    %get3A_22 = arith.constant 0 : index
    %get3A_23 = vector.load %arg7[%get3A_21, %get3A_22] : memref<16x256xf32, #tpu.memory_space<vmem>>, vector<16x256xf32>
    %div3A = arith.constant 7.864320e+05 : f32
    %div3A_24 = vector.broadcast %div3A : f32 to vector<16x256xf32>
    %div3A_25 = arith.divf %get3A_1, %div3A_24 : vector<16x256xf32>
    %div3A_26 = arith.constant 7.864320e+05 : f32
    %div3A_27 = vector.broadcast %div3A_26 : f32 to vector<16x256xf32>
    %div3A_28 = arith.divf %get3A_13, %div3A_27 : vector<16x256xf32>
    %sub3A = arith.subf %div3A_25, %div3A_28 : vector<16x256xf32>
    %mul3A = arith.mulf %sub3A, %sub3A : vector<16x256xf32>
    %add3A_29 = arith.addf %div3A_25, %div3A_28 : vector<16x256xf32>
    %add3A_30 = arith.constant 1.000000e-10 : f32
    %add3A_31 = vector.broadcast %add3A_30 : f32 to vector<16x256xf32>
    %add3A_32 = arith.addf %add3A_29, %add3A_31 : vector<16x256xf32>
    %div3A_33 = arith.divf %mul3A, %add3A_32 : vector<16x256xf32>
    %div3A_34 = arith.constant 7.864320e+05 : f32
    %div3A_35 = vector.broadcast %div3A_34 : f32 to vector<16x256xf32>
    %div3A_36 = arith.divf %add3A, %div3A_35 : vector<16x256xf32>
    %div3A_37 = arith.constant 7.864320e+05 : f32
    %div3A_38 = vector.broadcast %div3A_37 : f32 to vector<16x256xf32>
    %div3A_39 = arith.divf %add3A_20, %div3A_38 : vector<16x256xf32>
    %sub3A_40 = arith.subf %div3A_36, %div3A_39 : vector<16x256xf32>
    %mul3A_41 = arith.mulf %sub3A_40, %sub3A_40 : vector<16x256xf32>
    %add3A_42 = arith.addf %div3A_36, %div3A_39 : vector<16x256xf32>
    %add3A_43 = arith.constant 1.000000e-10 : f32
    %add3A_44 = vector.broadcast %add3A_43 : f32 to vector<16x256xf32>
    %add3A_45 = arith.addf %add3A_42, %add3A_44 : vector<16x256xf32>
    %div3A_46 = arith.divf %mul3A_41, %add3A_45 : vector<16x256xf32>
    %add3A_47 = arith.addf %div3A_33, %div3A_46 : vector<16x256xf32>
    %div3A_48 = arith.constant 7.864320e+05 : f32
    %div3A_49 = vector.broadcast %div3A_48 : f32 to vector<16x256xf32>
    %div3A_50 = arith.divf %get3A_10, %div3A_49 : vector<16x256xf32>
    %div3A_51 = arith.constant 7.864320e+05 : f32
    %div3A_52 = vector.broadcast %div3A_51 : f32 to vector<16x256xf32>
    %div3A_53 = arith.divf %get3A_23, %div3A_52 : vector<16x256xf32>
    %sub3A_54 = arith.subf %div3A_50, %div3A_53 : vector<16x256xf32>
    %mul3A_55 = arith.mulf %sub3A_54, %sub3A_54 : vector<16x256xf32>
    %add3A_56 = arith.addf %div3A_50, %div3A_53 : vector<16x256xf32>
    %add3A_57 = arith.constant 1.000000e-10 : f32
    %add3A_58 = vector.broadcast %add3A_57 : f32 to vector<16x256xf32>
    %add3A_59 = arith.addf %add3A_56, %add3A_58 : vector<16x256xf32>
    %div3A_60 = arith.divf %mul3A_55, %add3A_59 : vector<16x256xf32>
    %add3A_61 = arith.addf %add3A_47, %div3A_60 : vector<16x256xf32>
    %reduce_sum3A = vector.shape_cast %add3A_61 : vector<16x256xf32> to vector<1x16x256xf32>
    %reduce_sum3A_62 = arith.constant dense<0.000000e+00> : vector<1xf32>
    %reduce_sum3A_63 = vector.multi_reduction <add>, %reduce_sum3A, %reduce_sum3A_62 [1, 2] : vector<1x16x256xf32> to vector<1xf32>
    %reduce_sum3A_64 = vector.shape_cast %reduce_sum3A_63 : vector<1xf32> to vector<1x1x1xf32>
    %reduce_sum3A_65 = vector.extract %reduce_sum3A_64[0, 0, 0] : f32 from vector<1x1x1xf32>
    %div3A_66 = arith.constant 1.600000e+01 : f32
    %div3A_67 = arith.divf %reduce_sum3A_65, %div3A_66 : f32
    %swap3A = arith.constant 0 : index
    %swap3A_68 = arith.constant 0 : index
    %swap3A_69 = memref.load %arg8[%swap3A, %swap3A_68] : memref<1x1xf32, #tpu.memory_space<smem>>
    memref.store %div3A_67, %arg8[%swap3A, %swap3A_68] : memref<1x1xf32, #tpu.memory_space<smem>>
    return
  }
}

</mosaic_0001>

<sc_bundles>
// kernel: kernel.4.cloned.1.call-start
scs
__scs_entry_jumppad:
0x0: {  	(pc) =	sbr.rel $0x88, $3  }
0x1: {  	(tag) =	ssettag $0x0;
	lr =	simm.s32 $0x1  }
0x2: {  	[smem:$0x3F9F] =	sst lr;
	_ =	strace $0xD0000000  }
0x3: {  	_ = 	snop  }
0x4: {  	_ = 	snop  }
0x5: {  	_ = 	snop  }
0x6: {  	_ = 	snop  }
0x7: {  	_ = 	snop  }
__scs_overlays_trampoline_lowered:
0x8: {  	[smem:$0x3FAE] =	sst s0  }
0x9: {  	[smem:$0x3FAF] =	sst s1  }
0xa: {  	[smem:$0x3FB0] =	sst s2  }
0xb: {  	[smem:$0x3FB1] =	sst s3  }
0xc: {  	[smem:$0x3FB2] =	sst s4  }
0xd: {  	[smem:$0x3FB3] =	sst s5  }
0xe: {  	[smem:$0x3FB4] =	sst s6  }
0xf: {  	[smem:$0x3FB5] =	sst s7  }
0x10: {  	[smem:$0x3FB6] =	sst s8  }
0x11: {  	[smem:$0x3FB7] =	sst s9;
	s0 =	simm.s32 @!p0 $0x0  }
0x12: {  	s1 =	sld [smem:$0x3F9D];
	s0 =	simm.s32 @p0 $0x1  }
0x13: {  	[smem:$0x3FB8] =	sst s0;
	s0 =	simm.s32 @!p1 $0x0  }
0x14: {  	s2 =	sld [smem:$0x3F9C];
	s0 =	simm.s32 @p1 $0x1  }
0x15: {  	[smem:$0x3FB9] =	sst s0;
	s0 =	simm.s32 @!p2 $0x0  }
0x16: {  	s3 =	sld [smem:$0x3FDB];
	s0 =	simm.s32 @p2 $0x1  }
0x17: {  	s4 =	simm.s32 $0x1BF5;
	[smem:$0x3FBB] =	sst s0  }
0x18: {  	s0 =	sld [smem:$0x3F9E];
	_ =	swait.ge [sflag:s4], $0x0  }
0x19: {  	s7 =	sld [smem:$0x3F9F]  }
0x1a: {  	s8 =	sadd.s32 $0xFFFFE003, lr  }
0x1b: {  	s9 =	sadd.s32 $0xFFFFFEF7, lr;
	s5 =	simm.s32 $0xFFFFFFFF;
	p2 =	slt.u32 s8, $0xFFFFF086  }
0x1c: {  	p1 =	slt.u32 s9, $0xF7A;
	s5 =	simm.s32 @!p2 $0x0  }
0x1d: {  	s5 =	simm.s32 @p1 $0x1;
	p0 =	seq.s32 s7, s2  }
0x1e: {  	s7 =	smul.u32 @!p0 $0xF7A, s2;
	p2 =	seq.s32 @!p0 s5, $0x0  }
0x1f: {  	s9 =	smul.u32 $0xF7A, s1;
	s8 =	simm.s32 @!p0 $0x1BF5;
	p2 =	por !p2, p0  }
0x20: {  	[sflag:s8] =	ssyncset.s32 @!p0 $0xFFFFF086;
	s6 =	sadd.s32 @!p0 s3, s7;
	s7 =	simm.s32 @!p0 $0x108  }
0x21: {  	s3 =	sadd.s32 s3, s9;
	s6 =	sadd.s32 @!p0 $0x88, s6;
	s7 =	simm.s32 @p2 $0x1082  }
0x22: {  	[simem:s7], [sflag:s8] =	dma.local @!p0 [hbm:s6], $0xF7A  }
0x23: {  	s9 =	sor.u32 $0xD0000000, s2;
	s6 =	simm.s32 $0x108;
	_ =	swait.ge @!p0 [sflag:s8], $0x0  }
0x24: {  	s3 =	sadd.s32 $0x88, s3;
	s6 =	simm.s32 @!p1 $0x1082;
	[sflag:s4] =	ssyncset.s32 $0xFFFFF086  }
0x25: {  	[simem:s6], [sflag:s4] =	dma.local [hbm:s3], $0xF7A  }
0x26: {  	[smem:$0x3F9F] =	sst s1;
	(tag) =	ssettag s2;
	_ =	strace s9  }
0x27: {  	s1 =	sld [smem:$0x3FAF]  }
0x28: {  	s2 =	sld [smem:$0x3FB0]  }
0x29: {  	s4 =	sld [smem:$0x3FB2]  }
0x2a: {  	p0 =	seq.s32 s5, $0x0;
	s5 =	sld [smem:$0x3FB3]  }
0x2b: {  	s6 =	sld [smem:$0x3FB4]  }
0x2c: {  	s7 =	sld [smem:$0x3FB5]  }
0x2d: {  	s3 =	simm.s32 $0x108;
	s8 =	sld [smem:$0x3FB6]  }
0x2e: {  	s3 =	simm.s32 @!p0 $0x1082;
	s9 =	sld [smem:$0x3FB7]  }
0x2f: {  	lr =	sadd.s32 s0, s3;
	s0 =	sld [smem:$0x3FAE]  }
0x30: {  	s3 =	sld [smem:$0x3FB1]  }
0x31: {  	[smem:$0x3FBA] =	sst s10  }
0x32: {  	s10 =	sld [smem:$0x3FB8];
	_ =	sdelay $0x3  }
0x33: {  	p0 =	seq.s32 s10, $0x1;
	s10 =	sld [smem:$0x3FBA];
	_ =	sdelay $0x3  }
0x34: {  	[smem:$0x3FBA] =	sst s10  }
0x35: {  	s10 =	sld [smem:$0x3FB9];
	_ =	sdelay $0x3  }
0x36: {  	p1 =	seq.s32 s10, $0x1;
	s10 =	sld [smem:$0x3FBA];
	_ =	sdelay $0x3  }
0x37: {  	[smem:$0x3FBA] =	sst s10  }
0x38: {  	s10 =	sld [smem:$0x3FBB]  }
0x39: {  	_ = 	snop;
	(pc) =	sbr.ind lr, $3  }
0x3a: {  	_ = 	snop  }
0x3b: {  	_ = 	snop  }
0x3c: {  	p2 =	seq.s32 s10, $0x1;
	s10 =	sld [smem:$0x3FBA]  }
0x3d: {  	_ =	shalt  }
0x3e: {  	_ =	shalt  }
0x3f: {  	_ =	shalt  }
0x40: {  	_ =	shalt  }
0x41: {  	_ =	shalt  }
0x42: {  	_ =	shalt  }
0x43: {  	_ =	shalt  }
0x44: {  	_ =	shalt  }
0x45: {  	_ =	shalt  }
0x46: {  	_ =	shalt  }
0x47: {  	_ =	shalt  }
0x48: {  	_ =	shalt  }
0x49: {  	_ =	shalt  }
0x4a: {  	_ =	shalt  }
0x4b: {  	_ =	shalt  }
0x4c: {  	_ =	shalt  }
0x4d: {  	_ =	shalt  }
0x4e: {  	_ =	shalt  }
0x4f: {  	_ =	shalt  }
0x50: {  	_ =	shalt  }
0x51: {  	_ =	shalt  }
0x52: {  	_ =	shalt  }
0x53: {  	_ =	shalt  }
0x54: {  	_ =	shalt  }
0x55: {  	_ =	shalt  }
0x56: {  	_ =	shalt  }
0x57: {  	_ =	shalt  }
0x58: {  	_ =	shalt  }
0x59: {  	_ =	shalt  }
0x5a: {  	_ =	shalt  }
0x5b: {  	_ =	shalt  }
0x5c: {  	_ =	shalt  }
0x5d: {  	_ =	shalt  }
0x5e: {  	_ =	shalt  }
0x5f: {  	_ =	shalt  }
0x60: {  	_ =	shalt  }
0x61: {  	_ =	shalt  }
0x62: {  	_ =	shalt  }
0x63: {  	_ =	shalt  }
0x64: {  	_ =	shalt  }
0x65: {  	_ =	shalt  }
0x66: {  	_ =	shalt  }
0x67: {  	_ =	shalt  }
0x68: {  	_ =	shalt  }
0x69: {  	_ =	shalt  }
0x6a: {  	_ =	shalt  }
0x6b: {  	_ =	shalt  }
0x6c: {  	_ =	shalt  }
0x6d: {  	_ =	shalt  }
0x6e: {  	_ =	shalt  }
0x6f: {  	_ =	shalt  }
0x70: {  	_ =	shalt  }
0x71: {  	_ =	shalt  }
0x72: {  	_ =	shalt  }
0x73: {  	_ =	shalt  }
0x74: {  	_ =	shalt  }
0x75: {  	_ =	shalt  }
0x76: {  	_ =	shalt  }
0x77: {  	_ =	shalt  }
0x78: {  	_ =	shalt  }
0x79: {  	_ =	shalt  }
0x7a: {  	_ =	shalt  }
0x7b: {  	_ =	shalt  }
0x7c: {  	_ =	shalt  }
0x7d: {  	_ =	shalt  }
0x7e: {  	_ =	shalt  }
0x7f: {  	_ =	shalt  }
0x80: {  	_ =	shalt  }
0x81: {  	_ =	shalt  }
0x82: {  	_ =	shalt  }
0x83: {  	_ =	shalt  }
0x84: {  	_ =	shalt  }
0x85: {  	_ =	shalt  }
0x86: {  	_ =	shalt  }
0x87: {  	_ =	shalt  }
.Lfunc_end0:
.L_simem_size_0:
called_computation_lowered:
.L_overlay_start_0:
0x88: {  	s2 =	sld [smem:$0x3FD9]  }
0x89: {  	s3 =	sld [smem:$0x3FFE];
	_ =	sdelay $0x1  }
0x8a: {  	s1 =	srdreg.scid  }
0x8b: {  	s0 =	sand.u32 $0x1, s1  }
0x8c: {  	s17 =	sshll.u32 s0, $0xA;
	s2 =	sadd.s32 s3, s2  }
0x8d: {  	s2 =	sadd.s32 s2, s17  }
0x8e: {  	[smem:$0x3FC6] =	sst s2  }
0x8f: {  	_ = 	snop  }
0x90: {  	s2 =	sld [smem:$0x3FC9]  }
0x91: {  	s18 =	sld [smem:$0x3FC8];
	(tm) =	ssettm $0x1  }
0x92: {  	s4 =	sld [smem:$0x3FFB];
	_ =	sdelay $0x3  }
0x93: {  	_ =	strace s4  }
0x94: {  	s4 =	sld [smem:$0x3FFC];
	_ =	sdelay $0x3  }
0x95: {  	_ =	strace s4  }
0x96: {  	s4 =	sld [smem:$0x3FFD];
	_ =	sdelay $0x3  }
0x97: {  	_ =	strace s4  }
0x98: {  	_ =	strace $0x8FFFFFFF  }
0x99: {  	s19 =	sld [smem:$0x3FDB];
	_ =	sdelay $0x1  }
0x9a: {  	s5 =	simm.s32 $_scs_section_size  }
0x9b: {  	s6 =	simm.s32 $_size__tile_overlayer_lowered;
	s7 =	simm.s32 $_tile_overlayer_lowered  }
0x9c: {  	s22 =	simm.s32 $0x1BFF;
	s21 =	sshll.u32 s7, $0x1;
	s4 =	sadd.s32 s5, s19  }
0x9d: {  	s8 =	simm.s32 $0x0;
	s20 =	sshll.u32 s6, $0x1;
	s6 =	sadd.s32 s21, s4  }
0x9e: {  	[timem:s8], [sflag:s22] =	dma.local [hbm:s6], s20  }
0x9f: {  	_ =	swait.ge [sflag:s22], s20  }
0xa0: {  	s5 =	ssub.s32 $0x0, s20;
	[sflag:s22] =	ssyncset.done $0x0  }
0xa1: {  	[sflag:s22] =	ssyncadd.s32 s5;
	_ =	sdelay $0x1  }
0xa2: {  	s23 =	simm.s32 $0x1B8B  }
0xa3: {  	_ =	swait.ge [sflag:s23], $0x1  }
0xa4: {  	[sflag:s23] =	ssyncset.done $0x0  }
0xa5: {  	s25 =	simm.s32 $0x1B8E;
	s24 =	sld [smem:$0x3FFE];
	[sflag:s23] =	ssyncadd.s32 $0xFFFFFFFF  }
0xa6: {  	s26 =	simm.s32 $execute0_lowered;
	[smem:$0x3FD2] =	sst s25  }
0xa7: {  	s6 =	sshll.u32 s26, $0x1;
	_ =	strace $0x80000046;
	[dreg:$0x1] =	wrdreg $0xFFFFFFFF  }
0xa8: {  	s28 =	simm.s32 $_size_execute0_lowered;
	s4 =	sadd.s32 s4, s6;
	[dreg:$0x0] =	wrdreg $0x0  }
0xa9: {  	s6 =	sshll.u32 s28, $0x1;
	[dreg:$0x2] =	wrdreg s4  }
0xaa: {  	[dreg:$0x3] =	wrdreg s6  }
0xab: {  	[dreg:$0x4] =	wrdreg $0xC0  }
0xac: {  	_ =	task [dreg:s8], $0x5FFFF  }
0xad: {  	[dreg:$0x1] =	wrdreg $0xFFFFFFFF  }
0xae: {  	[dreg:$0x0] =	wrdreg $0x60  }
0xaf: {  	[dreg:$0x2] =	wrdreg s2  }
0xb0: {  	[dreg:$0x3] =	wrdreg s18  }
0xb1: {  	[dreg:$0x4] =	wrdreg s24  }
0xb2: {  	[dreg:$0x5] =	wrdreg $0x9  }
0xb3: {  	_ =	task.clear_ibuf [dreg:s8], $0x6FFFF;
	_ =	strace $0x90000046  }
0xb4: {  	s29 =	simm.s32 $0x9;
	_ =	strace $0x80000048  }
0xb5: {  	_ =	swait.ge [sflag:s29], $0x1  }
0xb6: {  	[sflag:s29] =	ssyncadd.s32 $0xFFFFFFFF  }
0xb7: {  	_ =	strace $0x90000048  }
0xb8: {  	_ =	sfence  }
0xb9: {  	s30 =	sld [smem:$0x0];
	_ =	sdelay $0x2  }
0xba: {  	s31 =	sshll.u32 s1, $0xD;
	s1 =	sshrl.u32 s1, $0x2  }
0xbb: {  	s3 =	sand.u32 $0x4000, s31;
	s1 =	sadd.s32 s1, s30  }
0xbc: {  	s0 =	sor.u32 s3, s0;
	s1 =	sshll.u32 s1, $0x11  }
0xbd: {  	s0 =	sor.u32 s1, s0  }
0xbe: {  	s0 =	sadd.s32 $0x8F2B, s0  }
0xbf: {  	[sflag:s0] =	ssyncadd.remote.s32 $0x1  }
0xc0: {  	_ =	sfence.sel $0xFFFF  }
0xc1: {  	[dreg:$0x0] =	wrdreg $0xFFFFFFFF;
	(pc) =	sbr.abs _section_cstart, $3  }
0xc2: {  	[dreg:$0x1] =	wrdreg $0xFFFFFFFF  }
0xc3: {  	_ =	task.clear_ibuf [dreg:s8], $0x2FFFF;
	_ =	strace $0x9FFFFFFF  }
0xc4: {  	(tm) =	ssettm $0x7FFFFFFF  }
0xc5: {  	_ =	shalt  }
tec
execute0_lowered:
.L_overlay_start_1:
0x0: {  	(tag) =	ssettag $0x1  }
0x1: {  	s1 =	rddreg [dreg:$0x0]  }
0x2: {  	s3 =	rddreg [dreg:$0x1];
	s0 =	srdreg.scid  }
0x3: {  	s4 =	stileid.u32;
	s2 =	rddreg [dreg:$0x2]  }
0x4: {  	s16 =	simm.s32 $0x2000;
	s17 =	simm.s32 $0x6000;
	s18 =	simm.s32 $0x1  }
0x5: {  	s19 =	simm.s32 $0x8000;
	s20 =	simm.s32 $0x2;
	s22 =	simm.s32 $0x3  }
0x6: {  	s23 =	simm.s32 $0xC100;
	s24 =	simm.s32 $0xC200;
	s25 =	simm.s32 $0xC300  }
0x7: {  	s0 =	sand.u32 $0x1, s0;
	s5 =	sshll.u32 s4, $0x1;
	s4 =	simm.s32 $0x0  }
0x8: {  	s26 =	simm.s32 $0x0;
	s5 =	sor.u32 s0, s5;
	[smem:$0x7FF] =	sst s4  }
0x9: {  	s6 =	ssub.s32 $0x2, s0;
	s9 =	smul.u32 $0x60000, s5;
	s5 =	sshll.u32 s5, $0x6  }
0xa: {  	_ =	strace $0x80000047;
	s7 =	sshrl.u32 s6, $0x1;
	s2 =	sadd.s32 s5, s2  }
0xb: {  	v0 =	vlaneseq.u32;
	s14 =	ssub.s32 s6, s7;
	s8 =	sshrl.u32 s9, $0x3;
	s7 =	sor.u32 $0x2000, s9  }
0xc: {  	v0 =	vmul.u32 $0x100, v0;
	s9 =	sor.u32 $0x4000, s9;
	s10 =	sadd.s32 $0xE00, s2;
	s11 =	sadd.s32 $0xE20, s2  }
0xd: {  	s12 =	sadd.s32 $0x1600, s2;
	s13 =	sadd.s32 $0x1620, s2;
	s14 =	smax.u32 s14, $0x1  }
0xe: {  	v1 =	vimm.f32 $0.0e+00;
	v2 =	vimm.f32 $1.000000000e+00;
	v3 =	vor.u32 $0x2000, v0;
	s5 =	sadd.s32 s1, s8;
	s6 =	sadd.s32 s3, s8;
	s8 =	sshll.u32 s0, $0xB  }
.LBB2_1:
0xf: {  	s0 =	simm.s32 $0x8020  }
0x10: {  	[tilespmem:s0+$0xFFFFFFE0] =	vst v1  }
0x11: {  	[tilespmem:s0+$0x10] =	vst v1  }
0x12: {  	s2 =	simm.s32 $0x0;
	[tilespmem:s0+$0x0] =	vst v1  }
.LBB2_2:
0x13: {  	s2 =	sadd.s32 $0x40, s2  }
0x14: {  	[tilespmem:s0+$0xFFFFFFF0] =	vst v1;
	s0 =	sadd.s32 $0x40, s0;
	p0 =	slt.u32 s2, $0x3FC0  }
.Ltmp0:
0x15: {  	[tilespmem:s0+$0xFFFFFFE0] =	vst v1;
	(pc) =	sbr.rel @p0 .LBB2_2-.Ltmp0, $3  }
0x16: {  	_ =	sdelay $0x1  }
0x17: {  	[tilespmem:s0+$0x10] =	vst v1  }
0x18: {  	[tilespmem:s0+$0x0] =	vst v1  }
0x19: {  	[tilespmem:s0+$0xFFFFFFF0] =	vst v1;
	s28 =	simm.s32 $0x0  }
0x1a: {  	[tilespmem:s28], [sflag:$0x1] =	stream.linear.gather [hbm4b:s5+s28], $0x2000, $0x38;
	[tilespmem:$0xC400] =	vst v63  }
0x1b: {  	s31 =	simm.s32 $0x4000;
	s29 =	simm.s32 $0x0  }
0x1c: {  	[tilespmem:s31], [sflag:$0x1] =	stream.linear.gather [hbm4b:s6+s28], $0x2000, $0x38;
	[tilespmem:$0xC400] =	vst v63  }
.LBB2_4:
0x1d: {  	s30 =	sshll.u32 s29, $0xE  }
0x1e: {  	s0 =	sadd.s32 s30, s7  }
0x1f: {  	s0 =	sshrl.u32 s0, $0x3  }
0x20: {  	s2 =	sadd.s32 s1, s0  }
0x21: {  	[tilespmem:s16], [sflag:$0x2] =	stream.linear.gather [hbm4b:s2+s28], $0x2000, $0x38;
	[tilespmem:$0xC400] =	vst v63  }
0x22: {  	s0 =	sadd.s32 s3, s0  }
0x23: {  	[tilespmem:s17], [sflag:$0x2] =	stream.linear.gather [hbm4b:s0+s28], $0x2000, $0x38;
	[tilespmem:$0xC400] =	vst v63  }
0x24: {  	_ =	swait.ge [sflag:s18], $0x2000  }
0x25: {  	[sflag:s18] =	ssyncset.done $0x0  }
0x26: {  	s15 =	simm.s32 $0x0;
	s21 =	sand.u32 $0x800, s28;
	[sflag:s18] =	ssyncadd.s32 $0xFFFFE000  }
0x27: {  	s0 =	sand.u32 $0x1000, s15;
	s15 =	simm.s32 $0x0;
	_ =	swait.ge [sflag:s18], $0x2000  }
0x28: {  	s15 =	sand.u32 $0x380, s15;
	s0 =	sor.u32 s21, s0;
	[sflag:s18] =	ssyncset.done $0x0  }
0x29: {  	s0 =	sor.u32 s15, s0;
	[sflag:s18] =	ssyncadd.s32 $0xFFFFE000  }
0x2a: {  	v4 =	vld [tilespmem:s0+$0x470]  }
0x2b: {  	v5 =	vld [tilespmem:s0+$0x0]  }
0x2c: {  	v6 =	vld [tilespmem:s0+$0x10]  }
0x2d: {  	v7 =	vld [tilespmem:s0+$0x20]  }
0x2e: {  	v9 =	vld [tilespmem:s0+$0x40]  }
0x2f: {  	v10 =	vld [tilespmem:s0+$0x50]  }
0x30: {  	v12 =	vld [tilespmem:s0+$0x70]  }
0x31: {  	v15 =	vld [tilespmem:s0+$0x420]  }
0x32: {  	v17 =	vld [tilespmem:s0+$0x440]  }
0x33: {  	v18 =	vld [tilespmem:s0+$0x450];
	v4 =	vmul.f32 $2.550000000e+02, v4  }
0x34: {  	v5 =	vmul.f32 $2.550000000e+02, v5;
	v6 =	vmul.f32 $2.550000000e+02, v6  }
0x35: {  	v7 =	vmul.f32 $2.550000000e+02, v7;
	v9 =	vmul.f32 $2.550000000e+02, v9  }
0x36: {  	v8 =	vld [tilespmem:s0+$0x30];
	v10 =	vmul.f32 $2.550000000e+02, v10;
	v12 =	vmul.f32 $2.550000000e+02, v12  }
0x37: {  	v15 =	vmul.f32 $2.550000000e+02, v15;
	v17 =	vmul.f32 $2.550000000e+02, v17  }
0x38: {  	v11 =	vld [tilespmem:s0+$0x60];
	v18 =	vmul.f32 $2.550000000e+02, v18;
	v4 =	vtrunc.f32 v4  }
0x39: {  	v5 =	vtrunc.f32 v5;
	v6 =	vtrunc.f32 v6  }
0x3a: {  	v14 =	vld [tilespmem:s0+$0x410];
	v7 =	vtrunc.f32 v7;
	v9 =	vtrunc.f32 v9  }
0x3b: {  	v13 =	vcvt.f32.s32 v4;
	v4 =	vmul.f32 $2.550000000e+02, v8  }
0x3c: {  	v10 =	vtrunc.f32 v10;
	v12 =	vtrunc.f32 v12  }
0x3d: {  	v16 =	vtrunc.f32 v4;
	v4 =	vmul.f32 $2.550000000e+02, v11  }
0x3e: {  	s21 =	sshll.u32 s29, $0x8;
	v15 =	vtrunc.f32 v15;
	v17 =	vtrunc.f32 v17;
	v8 =	vld [tilespmem:s0+$0x400]  }
0x3f: {  	s2 =	sadd.s32 s8, s21;
	v11 =	vld [tilespmem:s0+$0x430];
	v19 =	vtrunc.f32 v4;
	v4 =	vmul.f32 $2.550000000e+02, v14  }
0x40: {  	s31 =	simm.s32 $0x800;
	s15 =	simm.s32 $0x100;
	v18 =	vtrunc.f32 v18;
	v21 =	vcvt.f32.s32 v5;
	v14 =	vld [tilespmem:s0+$0x460];
	s0 =	sand.u32 $0x3000, s2  }
0x41: {  	s21 =	simm.s32 $0x40;
	s2 =	sand.u32 $0x800, s31;
	v5 =	vmov s0;
	v20 =	vtrunc.f32 v4;
	v4 =	vor.u32 s0, v0;
	s0 =	sand.u32 $0x1000, s15  }
0x42: {  	v6 =	vcvt.f32.s32 v6;
	v7 =	vcvt.f32.s32 v7;
	s15 =	sand.u32 $0x380, s21;
	s0 =	sor.u32 s2, s0  }
0x43: {  	v9 =	vcvt.f32.s32 v9;
	v10 =	vcvt.f32.s32 v10;
	s0 =	sor.u32 s15, s0  }
0x44: {  	v12 =	vcvt.f32.s32 v12;
	v15 =	vcvt.f32.s32 v15;
	v22 =	vld [tilespmem:s0+$0x0]  }
0x45: {  	v17 =	vcvt.f32.s32 v17;
	v18 =	vcvt.f32.s32 v18;
	v13 =	vmin.u32 v13, $0xFF;
	v23 =	vld [tilespmem:s0+$0x10]  }
0x46: {  	v21 =	vmin.u32 v21, $0xFF;
	v6 =	vmin.u32 v6, $0xFF;
	v7 =	vmin.u32 v7, $0xFF;
	v24 =	vld [tilespmem:s0+$0x20]  }
0x47: {  	v9 =	vmin.u32 v9, $0xFF;
	v16 =	vcvt.f32.s32 v16;
	v8 =	vmul.f32 $2.550000000e+02, v8;
	v26 =	vld [tilespmem:s0+$0x40]  }
0x48: {  	v10 =	vmin.u32 v10, $0xFF;
	v12 =	vmin.u32 v12, $0xFF;
	v13 =	vor.u32 v4, v13;
	v29 =	vld [tilespmem:s0+$0x70]  }
0x49: {  	v16 =	vmin.u32 v16, $0xFF;
	v8 =	vtrunc.f32 v8;
	v14 =	vmul.f32 $2.550000000e+02, v14;
	v31 =	vld [tilespmem:s0+$0x410]  }
0x4a: {  	v11 =	vmul.f32 $2.550000000e+02, v11;
	v16 =	vor.u32 v4, v16;
	v8 =	vcvt.f32.s32 v8;
	v59 =	vld [tilespmem:s0+$0x430]  }
0x4b: {  	v34 =	vor.u32 v4, v9;
	v38 =	vor.u32 v4, v12;
	v60 =	vld [tilespmem:s0+$0x440];
	v14 =	vtrunc.f32 v14  }
0x4c: {  	v11 =	vtrunc.f32 v11;
	v61 =	vld [tilespmem:s0+$0x460];
	v8 =	vmin.u32 v8, $0xFF;
	v14 =	vcvt.f32.s32 v14  }
0x4d: {  	v11 =	vcvt.f32.s32 v11;
	v62 =	vor.u32 v4, v8;
	[tilespmem:v13+s19+$0x0] =	vst.idx.add.f32.msk $0xffff, v2;
	v13 =	vcvt.f32.s32 v19  }
0x4e: {  	v25 =	vld [tilespmem:s0+$0x30];
	v19 =	vcvt.f32.s32 v20;
	v27 =	vmin.u32 v14, $0xFF;
	v14 =	vmul.f32 $2.550000000e+02, v22  }
0x4f: {  	v13 =	vmin.u32 v13, $0xFF;
	v23 =	vmul.f32 $2.550000000e+02, v23;
	v24 =	vmul.f32 $2.550000000e+02, v24  }
0x50: {  	v19 =	vmin.u32 v19, $0xFF;
	v26 =	vmul.f32 $2.550000000e+02, v26;
	v9 =	vmul.f32 $2.550000000e+02, v29  }
0x51: {  	v32 =	vld [tilespmem:s0+$0x420];
	v8 =	vmul.f32 $2.550000000e+02, v59;
	v12 =	vmul.f32 $2.550000000e+02, v60;
	v36 =	vor.u32 v4, v13  }
0x52: {  	v20 =	vld [tilespmem:s0+$0x470];
	v13 =	vmul.f32 $2.550000000e+02, v31;
	v63 =	vor.u32 v4, v19;
	v19 =	vmul.f32 $2.550000000e+02, v61  }
0x53: {  	v7 =	vor.u32 v4, v7;
	v30 =	vtrunc.f32 v14;
	v14 =	vmul.f32 $2.550000000e+02, v25  }
0x54: {  	v15 =	vmin.u32 v15, $0xFF;
	v28 =	vld [tilespmem:s0+$0x60];
	v23 =	vtrunc.f32 v23;
	v24 =	vtrunc.f32 v24  }
0x55: {  	v21 =	vor.u32 v4, v21;
	[tilespmem:v16+s19+$0x0] =	vst.idx.add.f32.msk $0xffff, v2;
	v26 =	vtrunc.f32 v26;
	v39 =	vtrunc.f32 v9  }
0x56: {  	v6 =	vor.u32 v4, v6;
	v22 =	vld [tilespmem:s0+$0x50];
	v9 =	vmul.f32 $2.550000000e+02, v32;
	v16 =	vtrunc.f32 v12  }
0x57: {  	v18 =	vmin.u32 v18, $0xFF;
	v25 =	vld [tilespmem:s0+$0x400];
	v20 =	vmul.f32 $2.550000000e+02, v20;
	v13 =	vtrunc.f32 v13  }
0x58: {  	[tilespmem:v7+s19+$0x0] =	vst.idx.add.f32.msk $0xffff, v2;
	v7 =	vor.u32 v4, v18;
	v12 =	vtrunc.f32 v19;
	v18 =	vcvt.f32.s32 v23  }
0x59: {  	v35 =	vor.u32 v4, v10;
	v19 =	vcvt.f32.s32 v24;
	v24 =	vcvt.f32.s32 v26  }
0x5a: {  	v17 =	vmin.u32 v17, $0xFF;
	[tilespmem:v21+s19+$0x0] =	vst.idx.add.f32.msk $0xffff, v2;
	v33 =	vtrunc.f32 v14;
	v20 =	vtrunc.f32 v20  }
0x5b: {  	v11 =	vmin.u32 v11, $0xFF;
	[tilespmem:v6+s19+$0x0] =	vst.idx.add.f32.msk $0xffff, v2;
	v14 =	vmul.f32 $2.550000000e+02, v28;
	v20 =	vcvt.f32.s32 v20  }
0x5c: {  	v22 =	vmul.f32 $2.550000000e+02, v22;
	v18 =	vmin.u32 v18, $0xFF;
	v10 =	vmul.f32 $2.550000000e+02, v25;
	v25 =	vld [tilespmem:s0+$0x450]  }
0x5d: {  	[tilespmem:v34+s19+$0x0] =	vst.idx.add.f32.msk $0xffff, v2;
	v37 =	vtrunc.f32 v14;
	v14 =	vtrunc.f32 v8;
	v20 =	vmin.u32 v20, $0xFF  }
0x5e: {  	[tilespmem:v35+s19+$0x0] =	vst.idx.add.f32.msk $0xffff, v2;
	v8 =	vor.u32 v4, v17;
	v17 =	vcvt.f32.s32 v30;
	v20 =	vor.u32 v4, v20  }
0x5f: {  	[tilespmem:v38+s19+$0x0] =	vst.idx.add.f32.msk $0xffff, v2;
	v22 =	vtrunc.f32 v22;
	v40 =	vtrunc.f32 v10;
	v10 =	vor.u32 v4, v15  }
0x60: {  	[tilespmem:v62+s19+$0x0] =	vst.idx.add.f32.msk $0xffff, v2;
	v23 =	vcvt.f32.s32 v22;
	v15 =	vtrunc.f32 v9;
	v9 =	vor.u32 v4, v11  }
0x61: {  	v19 =	vmin.u32 v19, $0xFF;
	[tilespmem:v36+s19+$0x0] =	vst.idx.add.f32.msk $0xffff, v2;
	v22 =	vcvt.f32.s32 v39;
	v6 =	vmul.f32 $2.550000000e+02, v25  }
0x62: {  	[tilespmem:v63+s19+$0x0] =	vst.idx.add.f32.msk $0xffff, v2;
	v17 =	vmin.u32 v17, $0xFF;
	v21 =	vcvt.f32.s32 v40;
	v25 =	vcvt.f32.s32 v33  }
0x63: {  	s2 =	simm.s32 $0x10;
	[tilespmem:v20+s19+$0x0] =	vst.idx.add.f32.msk $0xffff, v2;
	v11 =	vtrunc.f32 v6;
	v6 =	vor.u32 v4, v27;
	v20 =	vcvt.f32.s32 v37  }
.LBB2_5:
0x64: {  	s2 =	sadd.s32 $0x10, s2;
	v25 =	vmin.u32 v25, $0xFF;
	v13 =	vcvt.f32.s32 v13;
	v15 =	vcvt.f32.s32 v15;
	[tilespmem:v10+s19+$0x0] =	vst.idx.add.f32.msk $0xffff, v2  }
0x65: {  	v10 =	vmin.u32 v24, $0xFF;
	v14 =	vcvt.f32.s32 v14;
	v16 =	vcvt.f32.s32 v16;
	s31 =	sadd.s32 $0x800, s31;
	s0 =	sshll.u32 s2, $0x4;
	p0 =	slt.u32 s2, $0x1F0;
	[tilespmem:v9+s19+$0x0] =	vst.idx.add.f32.msk $0xffff, v2  }
0x66: {  	v11 =	vcvt.f32.s32 v11;
	v12 =	vcvt.f32.s32 v12;
	s15 =	sand.u32 $0x800, s31;
	s21 =	sshll.u32 s2, $0x2;
	v9 =	vmin.u32 v23, $0xFF;
	s0 =	sand.u32 $0x1000, s0;
	[tilespmem:v8+s19+$0x0] =	vst.idx.add.f32.msk $0xffff, v2  }
0x67: {  	v21 =	vmin.u32 v21, $0xFF;
	s21 =	sand.u32 $0x380, s21;
	v8 =	vmin.u32 v20, $0xFF;
	v20 =	vmin.u32 v22, $0xFF;
	s0 =	sor.u32 s15, s0;
	[tilespmem:v7+s19+$0x0] =	vst.idx.add.f32.msk $0xffff, v2  }
0x68: {  	v14 =	vmin.u32 v14, $0xFF;
	v7 =	vmin.u32 v13, $0xFF;
	v13 =	vmin.u32 v15, $0xFF;
	s0 =	sor.u32 s21, s0;
	[tilespmem:v6+s19+$0x0] =	vst.idx.add.f32.msk $0xffff, v2  }
0x69: {  	v11 =	vmin.u32 v11, $0xFF;
	v12 =	vmin.u32 v12, $0xFF;
	v15 =	vmin.u32 v16, $0xFF;
	v6 =	vld [tilespmem:s0+$0x470]  }
0x6a: {  	v17 =	vor.u32 v4, v17;
	v18 =	vor.u32 v4, v18;
	v19 =	vor.u32 v4, v19;
	v16 =	vld [tilespmem:s0+$0x0]  }
0x6b: {  	v23 =	vor.u32 v4, v25;
	v24 =	vor.u32 v4, v10;
	v25 =	vor.u32 v4, v9;
	v22 =	vld [tilespmem:s0+$0x10]  }
0x6c: {  	v21 =	vor.u32 v4, v21;
	v27 =	vor.u32 v4, v8;
	v20 =	vor.u32 v4, v20;
	v26 =	vld [tilespmem:s0+$0x20]  }
0x6d: {  	v9 =	vor.u32 v4, v14;
	v29 =	vor.u32 v4, v7;
	v10 =	vor.u32 v4, v13;
	v28 =	vld [tilespmem:s0+$0x30]  }
0x6e: {  	v8 =	vor.u32 v4, v15;
	v7 =	vor.u32 v4, v11;
	v13 =	vld [tilespmem:s0+$0x40];
	v14 =	vmul.f32 $2.550000000e+02, v6  }
0x6f: {  	v6 =	vor.u32 v4, v12;
	v11 =	vmul.f32 $2.550000000e+02, v16;
	v15 =	vld [tilespmem:s0+$0x50]  }
0x70: {  	v12 =	vmul.f32 $2.550000000e+02, v22;
	v16 =	vld [tilespmem:s0+$0x60];
	v14 =	vtrunc.f32 v14  }
0x71: {  	v22 =	vmul.f32 $2.550000000e+02, v26;
	v26 =	vld [tilespmem:s0+$0x70];
	v14 =	vcvt.f32.s32 v14  }
0x72: {  	v30 =	vtrunc.f32 v11;
	v11 =	vmul.f32 $2.550000000e+02, v28;
	v28 =	vld [tilespmem:s0+$0x400]  }
0x73: {  	v31 =	vtrunc.f32 v12;
	v12 =	vmul.f32 $2.550000000e+02, v13;
	v13 =	vld [tilespmem:s0+$0x410];
	v14 =	vmin.u32 v14, $0xFF  }
0x74: {  	v22 =	vtrunc.f32 v22;
	v15 =	vmul.f32 $2.550000000e+02, v15;
	v32 =	vld [tilespmem:s0+$0x420];
	v14 =	vor.u32 v4, v14  }
0x75: {  	v33 =	vtrunc.f32 v11;
	v11 =	vmul.f32 $2.550000000e+02, v16;
	v16 =	vld [tilespmem:s0+$0x430]  }
0x76: {  	v34 =	vtrunc.f32 v12;
	v12 =	vmul.f32 $2.550000000e+02, v26;
	v26 =	vld [tilespmem:s0+$0x440]  }
0x77: {  	v35 =	vtrunc.f32 v15;
	v15 =	vmul.f32 $2.550000000e+02, v28;
	v28 =	vld [tilespmem:s0+$0x450]  }
0x78: {  	v36 =	vtrunc.f32 v11;
	v11 =	vmul.f32 $2.550000000e+02, v13;
	v37 =	vld [tilespmem:s0+$0x460]  }
0x79: {  	v38 =	vtrunc.f32 v12;
	v12 =	vmul.f32 $2.550000000e+02, v32;
	[tilespmem:v14+s19+$0x0] =	vst.idx.add.f32.msk $0xffff, v2  }
0x7a: {  	v32 =	vtrunc.f32 v15;
	v14 =	vmul.f32 $2.550000000e+02, v16;
	[tilespmem:v17+s19+$0x0] =	vst.idx.add.f32.msk $0xffff, v2  }
0x7b: {  	v13 =	vtrunc.f32 v11;
	v11 =	vmul.f32 $2.550000000e+02, v26;
	[tilespmem:v18+s19+$0x0] =	vst.idx.add.f32.msk $0xffff, v2  }
0x7c: {  	v15 =	vtrunc.f32 v12;
	v12 =	vmul.f32 $2.550000000e+02, v28;
	[tilespmem:v19+s19+$0x0] =	vst.idx.add.f32.msk $0xffff, v2  }
0x7d: {  	v14 =	vtrunc.f32 v14;
	v17 =	vmul.f32 $2.550000000e+02, v37;
	[tilespmem:v23+s19+$0x0] =	vst.idx.add.f32.msk $0xffff, v2  }
0x7e: {  	v16 =	vtrunc.f32 v11;
	v11 =	vtrunc.f32 v12;
	[tilespmem:v24+s19+$0x0] =	vst.idx.add.f32.msk $0xffff, v2  }
.Ltmp1:
0x7f: {  	v18 =	vcvt.f32.s32 v30;
	v12 =	vtrunc.f32 v17;
	[tilespmem:v25+s19+$0x0] =	vst.idx.add.f32.msk $0xffff, v2;
	(pc) =	sbr.rel @p0 .LBB2_5-.Ltmp1, $4  }
0x80: {  	v22 =	vcvt.f32.s32 v22;
	v19 =	vcvt.f32.s32 v31;
	[tilespmem:v27+s19+$0x0] =	vst.idx.add.f32.msk $0xffff, v2  }
0x81: {  	v24 =	vcvt.f32.s32 v34;
	v17 =	vmin.u32 v18, $0xFF;
	v25 =	vcvt.f32.s32 v33;
	[tilespmem:v20+s19+$0x0] =	vst.idx.add.f32.msk $0xffff, v2  }
0x82: {  	v23 =	vcvt.f32.s32 v35;
	v18 =	vmin.u32 v19, $0xFF;
	v20 =	vcvt.f32.s32 v36;
	[tilespmem:v21+s19+$0x0] =	vst.idx.add.f32.msk $0xffff, v2  }
0x83: {  	v19 =	vmin.u32 v22, $0xFF;
	v22 =	vcvt.f32.s32 v38;
	v21 =	vcvt.f32.s32 v32;
	[tilespmem:v29+s19+$0x0] =	vst.idx.add.f32.msk $0xffff, v2  }
0x84: {  	_ =	sdelay $0x3  }
0x85: {  	[tilespmem:v10+s19+$0x0] =	vst.idx.add.f32.msk $0xffff, v2;
	v10 =	vor.u32 v4, v17  }
0x86: {  	[tilespmem:v9+s19+$0x0] =	vst.idx.add.f32.msk $0xffff, v2;
	v9 =	vor.u32 v4, v18  }
0x87: {  	v17 =	vmin.u32 v25, $0xFF;
	[tilespmem:v8+s19+$0x0] =	vst.idx.add.f32.msk $0xffff, v2;
	v8 =	vor.u32 v4, v19  }
0x88: {  	v18 =	vmin.u32 v24, $0xFF;
	[tilespmem:v7+s19+$0x0] =	vst.idx.add.f32.msk $0xffff, v2;
	v7 =	vor.u32 v4, v17  }
0x89: {  	[tilespmem:v6+s19+$0x0] =	vst.idx.add.f32.msk $0xffff, v2;
	v17 =	vmin.u32 v23, $0xFF;
	v6 =	vor.u32 v4, v18  }
0x8a: {  	v18 =	vmin.u32 v20, $0xFF;
	v17 =	vor.u32 v4, v17;
	[tilespmem:v10+s19+$0x0] =	vst.idx.add.f32.msk $0xffff, v2  }
0x8b: {  	v18 =	vor.u32 v4, v18;
	v10 =	vcvt.f32.s32 v13;
	v13 =	vmin.u32 v22, $0xFF;
	[tilespmem:v9+s19+$0x0] =	vst.idx.add.f32.msk $0xffff, v2  }
0x8c: {  	v9 =	vcvt.f32.s32 v15;
	v15 =	vmin.u32 v21, $0xFF;
	[tilespmem:v8+s19+$0x0] =	vst.idx.add.f32.msk $0xffff, v2;
	v13 =	vor.u32 v4, v13  }
0x8d: {  	v8 =	vcvt.f32.s32 v14;
	v14 =	vor.u32 v4, v15;
	[tilespmem:v7+s19+$0x0] =	vst.idx.add.f32.msk $0xffff, v2;
	v10 =	vmin.u32 v10, $0xFF  }
0x8e: {  	v7 =	vcvt.f32.s32 v16;
	[tilespmem:v6+s19+$0x0] =	vst.idx.add.f32.msk $0xffff, v2;
	v9 =	vmin.u32 v9, $0xFF;
	v10 =	vor.u32 v4, v10  }
0x8f: {  	v6 =	vcvt.f32.s32 v11;
	v8 =	vmin.u32 v8, $0xFF;
	[tilespmem:v17+s19+$0x0] =	vst.idx.add.f32.msk $0xffff, v2;
	v9 =	vor.u32 v4, v9  }
0x90: {  	v11 =	vcvt.f32.s32 v12;
	[tilespmem:v18+s19+$0x0] =	vst.idx.add.f32.msk $0xffff, v2;
	v7 =	vmin.u32 v7, $0xFF;
	v8 =	vor.u32 v4, v8  }
0x91: {  	v6 =	vmin.u32 v6, $0xFF;
	v7 =	vor.u32 v4, v7;
	[tilespmem:v13+s19+$0x0] =	vst.idx.add.f32.msk $0xffff, v2  }
0x92: {  	v11 =	vmin.u32 v11, $0xFF;
	v6 =	vor.u32 v4, v6;
	[tilespmem:v14+s19+$0x0] =	vst.idx.add.f32.msk $0xffff, v2  }
0x93: {  	v11 =	vor.u32 v4, v11;
	[tilespmem:v10+s19+$0x0] =	vst.idx.add.f32.msk $0xffff, v2  }
0x94: {  	[tilespmem:v9+s19+$0x0] =	vst.idx.add.f32.msk $0xffff, v2  }
0x95: {  	s0 =	simm.s32 $0x0;
	s2 =	simm.s32 $0x0;
	[tilespmem:v8+s19+$0x0] =	vst.idx.add.f32.msk $0xffff, v2  }
0x96: {  	s15 =	simm.s32 $0x0;
	s2 =	sand.u32 $0x1000, s2;
	s0 =	sand.u32 $0x800, s0;
	[tilespmem:v7+s19+$0x0] =	vst.idx.add.f32.msk $0xffff, v2  }
0x97: {  	s15 =	sand.u32 $0x380, s15;
	s0 =	sor.u32 s0, s2;
	[tilespmem:v6+s19+$0x0] =	vst.idx.add.f32.msk $0xffff, v2  }
0x98: {  	s0 =	sor.u32 s15, s0;
	[tilespmem:v11+s19+$0x0] =	vst.idx.add.f32.msk $0xffff, v2  }
0x99: {  	v6 =	vld [tilespmem:s0+$0x4470]  }
0x9a: {  	v7 =	vld [tilespmem:s0+$0x4000]  }
0x9b: {  	v8 =	vld [tilespmem:s0+$0x4010]  }
0x9c: {  	v9 =	vld [tilespmem:s0+$0x4020]  }
0x9d: {  	v10 =	vld [tilespmem:s0+$0x4030]  }
0x9e: {  	v11 =	vld [tilespmem:s0+$0x4040]  }
0x9f: {  	v12 =	vld [tilespmem:s0+$0x4050]  }
0xa0: {  	v13 =	vld [tilespmem:s0+$0x4060]  }
0xa1: {  	v14 =	vld [tilespmem:s0+$0x4070]  }
0xa2: {  	v15 =	vld [tilespmem:s0+$0x4400]  }
0xa3: {  	v16 =	vld [tilespmem:s0+$0x4410]  }
0xa4: {  	v17 =	vld [tilespmem:s0+$0x4420]  }
0xa5: {  	v18 =	vld [tilespmem:s0+$0x4430];
	v6 =	vmul.f32 $2.550000000e+02, v6  }
0xa6: {  	v19 =	vld [tilespmem:s0+$0x4440];
	v7 =	vmul.f32 $2.550000000e+02, v7;
	v8 =	vmul.f32 $2.550000000e+02, v8  }
0xa7: {  	v20 =	vld [tilespmem:s0+$0x4450];
	v9 =	vmul.f32 $2.550000000e+02, v9;
	v10 =	vmul.f32 $2.550000000e+02, v10  }
0xa8: {  	v21 =	vld [tilespmem:s0+$0x4460];
	v11 =	vmul.f32 $2.550000000e+02, v11;
	v12 =	vmul.f32 $2.550000000e+02, v12  }
0xa9: {  	v13 =	vmul.f32 $2.550000000e+02, v13;
	v14 =	vmul.f32 $2.550000000e+02, v14  }
0xaa: {  	v15 =	vmul.f32 $2.550000000e+02, v15;
	v16 =	vmul.f32 $2.550000000e+02, v16  }
0xab: {  	v17 =	vmul.f32 $2.550000000e+02, v17;
	v18 =	vmul.f32 $2.550000000e+02, v18  }
0xac: {  	v19 =	vmul.f32 $2.550000000e+02, v19;
	v20 =	vmul.f32 $2.550000000e+02, v20  }
0xad: {  	v21 =	vmul.f32 $2.550000000e+02, v21;
	v6 =	vtrunc.f32 v6  }
0xae: {  	v7 =	vtrunc.f32 v7;
	v8 =	vtrunc.f32 v8  }
0xaf: {  	v9 =	vtrunc.f32 v9;
	v10 =	vtrunc.f32 v10  }
0xb0: {  	s31 =	simm.s32 $0x800;
	s15 =	simm.s32 $0x100;
	v11 =	vtrunc.f32 v11;
	v12 =	vtrunc.f32 v12  }
0xb1: {  	s21 =	simm.s32 $0x40;
	s2 =	sand.u32 $0x800, s31;
	s0 =	sand.u32 $0x1000, s15;
	v13 =	vtrunc.f32 v13;
	v14 =	vtrunc.f32 v14  }
0xb2: {  	s15 =	sand.u32 $0x380, s21;
	s0 =	sor.u32 s2, s0;
	v15 =	vtrunc.f32 v15;
	v16 =	vtrunc.f32 v16  }
0xb3: {  	s0 =	sor.u32 s15, s0;
	v17 =	vtrunc.f32 v17;
	v18 =	vtrunc.f32 v18  }
0xb4: {  	v22 =	vld [tilespmem:s0+$0x4000];
	v19 =	vtrunc.f32 v19;
	v20 =	vtrunc.f32 v20  }
0xb5: {  	v23 =	vld [tilespmem:s0+$0x4010];
	v21 =	vtrunc.f32 v21;
	v6 =	vcvt.f32.s32 v6  }
0xb6: {  	v24 =	vld [tilespmem:s0+$0x4020];
	v7 =	vcvt.f32.s32 v7;
	v8 =	vcvt.f32.s32 v8  }
0xb7: {  	v25 =	vld [tilespmem:s0+$0x4030];
	v9 =	vcvt.f32.s32 v9;
	v10 =	vcvt.f32.s32 v10  }
0xb8: {  	v26 =	vld [tilespmem:s0+$0x4040];
	v11 =	vcvt.f32.s32 v11;
	v12 =	vcvt.f32.s32 v12  }
0xb9: {  	v27 =	vld [tilespmem:s0+$0x4050];
	v17 =	vcvt.f32.s32 v17;
	v18 =	vcvt.f32.s32 v18  }
0xba: {  	v19 =	vcvt.f32.s32 v19;
	v20 =	vcvt.f32.s32 v20  }
0xbb: {  	v21 =	vcvt.f32.s32 v21;
	v22 =	vmul.f32 $2.550000000e+02, v22  }
0xbc: {  	v23 =	vmul.f32 $2.550000000e+02, v23;
	v24 =	vmul.f32 $2.550000000e+02, v24  }
0xbd: {  	v5 =	vadd.s32 v3, v5;
	v25 =	vmul.f32 $2.550000000e+02, v25;
	v26 =	vmul.f32 $2.550000000e+02, v26  }
0xbe: {  	v28 =	vld [tilespmem:s0+$0x4060];
	v27 =	vmul.f32 $2.550000000e+02, v27;
	v6 =	vmin.u32 v6, $0xFF;
	v7 =	vmin.u32 v7, $0xFF  }
0xbf: {  	v29 =	vld [tilespmem:s0+$0x4070];
	v8 =	vmin.u32 v8, $0xFF;
	v9 =	vmin.u32 v9, $0xFF;
	v10 =	vmin.u32 v10, $0xFF  }
0xc0: {  	v30 =	vld [tilespmem:s0+$0x4400];
	v11 =	vmin.u32 v11, $0xFF;
	v12 =	vmin.u32 v12, $0xFF;
	v17 =	vmin.u32 v17, $0xFF  }
0xc1: {  	v22 =	vtrunc.f32 v22;
	v23 =	vtrunc.f32 v23;
	v6 =	vor.u32 v5, v6  }
0xc2: {  	v18 =	vmin.u32 v18, $0xFF;
	v24 =	vtrunc.f32 v24;
	v25 =	vtrunc.f32 v25  }
0xc3: {  	v32 =	vld [tilespmem:s0+$0x4420];
	v19 =	vmin.u32 v19, $0xFF;
	v26 =	vtrunc.f32 v26;
	v27 =	vtrunc.f32 v27  }
0xc4: {  	v58 =	vld [tilespmem:s0+$0x4430];
	v33 =	vor.u32 v5, v10;
	v10 =	vmul.f32 $2.550000000e+02, v28;
	v34 =	vor.u32 v5, v11  }
0xc5: {  	v60 =	vld [tilespmem:s0+$0x4450];
	v11 =	vmul.f32 $2.550000000e+02, v29;
	v35 =	vor.u32 v5, v12;
	v12 =	vmul.f32 $2.550000000e+02, v30  }
0xc6: {  	v7 =	vor.u32 v5, v7;
	[tilespmem:v6+s19+$0x0] =	vst.idx.add.f32.msk $0xffff, v2;
	v6 =	vcvt.f32.s32 v13;
	v13 =	vcvt.f32.s32 v14  }
0xc7: {  	v9 =	vor.u32 v5, v9;
	v14 =	vcvt.f32.s32 v15;
	v15 =	vcvt.f32.s32 v16;
	v16 =	vld [tilespmem:s0+$0x4470]  }
0xc8: {  	v8 =	vor.u32 v5, v8;
	v25 =	vcvt.f32.s32 v25;
	v37 =	vtrunc.f32 v10  }
0xc9: {  	v20 =	vmin.u32 v20, $0xFF;
	v39 =	vtrunc.f32 v11;
	v11 =	vmul.f32 $2.550000000e+02, v32  }
0xca: {  	v31 =	vld [tilespmem:s0+$0x4410];
	v21 =	vmin.u32 v21, $0xFF;
	v40 =	vtrunc.f32 v12;
	v12 =	vmul.f32 $2.550000000e+02, v58  }
0xcb: {  	v10 =	vor.u32 v5, v17;
	v17 =	vcvt.f32.s32 v22;
	v22 =	vcvt.f32.s32 v39;
	[tilespmem:v7+s19+$0x0] =	vst.idx.add.f32.msk $0xffff, v2  }
0xcc: {  	v7 =	vmul.f32 $2.550000000e+02, v60;
	[tilespmem:v9+s19+$0x0] =	vst.idx.add.f32.msk $0xffff, v2;
	v9 =	vor.u32 v5, v18;
	v16 =	vmul.f32 $2.550000000e+02, v16  }
0xcd: {  	[tilespmem:v8+s19+$0x0] =	vst.idx.add.f32.msk $0xffff, v2;
	v8 =	vor.u32 v5, v19;
	v18 =	vcvt.f32.s32 v23;
	v6 =	vmin.u32 v6, $0xFF  }
0xce: {  	v59 =	vld [tilespmem:s0+$0x4440];
	v13 =	vmin.u32 v13, $0xFF;
	v36 =	vor.u32 v5, v6;
	v16 =	vtrunc.f32 v16  }
0xcf: {  	v61 =	vld [tilespmem:s0+$0x4460];
	v14 =	vmin.u32 v14, $0xFF;
	v38 =	vor.u32 v5, v13;
	v16 =	vcvt.f32.s32 v16  }
0xd0: {  	[tilespmem:v33+s19+$0x0] =	vst.idx.add.f32.msk $0xffff, v2;
	v19 =	vcvt.f32.s32 v24;
	v15 =	vmin.u32 v15, $0xFF;
	v62 =	vor.u32 v5, v14  }
0xd1: {  	[tilespmem:v34+s19+$0x0] =	vst.idx.add.f32.msk $0xffff, v2;
	v24 =	vcvt.f32.s32 v26;
	v63 =	vor.u32 v5, v15;
	v16 =	vmin.u32 v16, $0xFF  }
0xd2: {  	[tilespmem:v35+s19+$0x0] =	vst.idx.add.f32.msk $0xffff, v2;
	v23 =	vcvt.f32.s32 v27;
	v6 =	vmul.f32 $2.550000000e+02, v31;
	v16 =	vor.u32 v5, v16  }
0xd3: {  	v17 =	vmin.u32 v17, $0xFF;
	v15 =	vtrunc.f32 v11;
	v14 =	vtrunc.f32 v12;
	[tilespmem:v36+s19+$0x0] =	vst.idx.add.f32.msk $0xffff, v2  }
0xd4: {  	v18 =	vmin.u32 v18, $0xFF;
	v12 =	vmul.f32 $2.550000000e+02, v61;
	v11 =	vtrunc.f32 v7;
	[tilespmem:v38+s19+$0x0] =	vst.idx.add.f32.msk $0xffff, v2  }
0xd5: {  	v19 =	vmin.u32 v19, $0xFF;
	v13 =	vtrunc.f32 v6;
	v6 =	vmul.f32 $2.550000000e+02, v59;
	[tilespmem:v62+s19+$0x0] =	vst.idx.add.f32.msk $0xffff, v2  }
0xd6: {  	v7 =	vor.u32 v5, v20;
	v20 =	vcvt.f32.s32 v37;
	v12 =	vtrunc.f32 v12;
	[tilespmem:v63+s19+$0x0] =	vst.idx.add.f32.msk $0xffff, v2  }
0xd7: {  	s2 =	simm.s32 $0x10;
	[tilespmem:v16+s19+$0x0] =	vst.idx.add.f32.msk $0xffff, v2;
	v16 =	vtrunc.f32 v6;
	v6 =	vor.u32 v5, v21;
	v21 =	vcvt.f32.s32 v40  }
.LBB2_7:
0xd8: {  	s2 =	sadd.s32 $0x10, s2;
	v25 =	vmin.u32 v25, $0xFF;
	v13 =	vcvt.f32.s32 v13;
	v15 =	vcvt.f32.s32 v15;
	[tilespmem:v10+s19+$0x0] =	vst.idx.add.f32.msk $0xffff, v2  }
0xd9: {  	v10 =	vmin.u32 v24, $0xFF;
	v14 =	vcvt.f32.s32 v14;
	v16 =	vcvt.f32.s32 v16;
	s31 =	sadd.s32 $0x800, s31;
	s0 =	sshll.u32 s2, $0x4;
	p0 =	slt.u32 s2, $0x1F0;
	[tilespmem:v9+s19+$0x0] =	vst.idx.add.f32.msk $0xffff, v2  }
0xda: {  	v11 =	vcvt.f32.s32 v11;
	v12 =	vcvt.f32.s32 v12;
	s15 =	sand.u32 $0x800, s31;
	s21 =	sshll.u32 s2, $0x2;
	v9 =	vmin.u32 v23, $0xFF;
	s0 =	sand.u32 $0x1000, s0;
	[tilespmem:v8+s19+$0x0] =	vst.idx.add.f32.msk $0xffff, v2  }
0xdb: {  	v21 =	vmin.u32 v21, $0xFF;
	s21 =	sand.u32 $0x380, s21;
	v8 =	vmin.u32 v20, $0xFF;
	v20 =	vmin.u32 v22, $0xFF;
	s0 =	sor.u32 s15, s0;
	[tilespmem:v7+s19+$0x0] =	vst.idx.add.f32.msk $0xffff, v2  }
0xdc: {  	v14 =	vmin.u32 v14, $0xFF;
	v7 =	vmin.u32 v13, $0xFF;
	v13 =	vmin.u32 v15, $0xFF;
	s0 =	sor.u32 s21, s0;
	[tilespmem:v6+s19+$0x0] =	vst.idx.add.f32.msk $0xffff, v2  }
0xdd: {  	v11 =	vmin.u32 v11, $0xFF;
	v12 =	vmin.u32 v12, $0xFF;
	v15 =	vmin.u32 v16, $0xFF;
	v6 =	vld [tilespmem:s0+$0x4470]  }
0xde: {  	v17 =	vor.u32 v5, v17;
	v18 =	vor.u32 v5, v18;
	v19 =	vor.u32 v5, v19;
	v16 =	vld [tilespmem:s0+$0x4000]  }
0xdf: {  	v23 =	vor.u32 v5, v25;
	v24 =	vor.u32 v5, v10;
	v25 =	vor.u32 v5, v9;
	v22 =	vld [tilespmem:s0+$0x4010]  }
0xe0: {  	v21 =	vor.u32 v5, v21;
	v27 =	vor.u32 v5, v8;
	v20 =	vor.u32 v5, v20;
	v26 =	vld [tilespmem:s0+$0x4020]  }
0xe1: {  	v9 =	vor.u32 v5, v14;
	v29 =	vor.u32 v5, v7;
	v10 =	vor.u32 v5, v13;
	v28 =	vld [tilespmem:s0+$0x4030]  }
0xe2: {  	v8 =	vor.u32 v5, v15;
	v7 =	vor.u32 v5, v11;
	v13 =	vld [tilespmem:s0+$0x4040];
	v14 =	vmul.f32 $2.550000000e+02, v6  }
0xe3: {  	v6 =	vor.u32 v5, v12;
	v11 =	vmul.f32 $2.550000000e+02, v16;
	v15 =	vld [tilespmem:s0+$0x4050]  }
0xe4: {  	v12 =	vmul.f32 $2.550000000e+02, v22;
	v16 =	vld [tilespmem:s0+$0x4060];
	v14 =	vtrunc.f32 v14  }
0xe5: {  	v22 =	vmul.f32 $2.550000000e+02, v26;
	v26 =	vld [tilespmem:s0+$0x4070];
	v14 =	vcvt.f32.s32 v14  }
0xe6: {  	v30 =	vtrunc.f32 v11;
	v11 =	vmul.f32 $2.550000000e+02, v28;
	v28 =	vld [tilespmem:s0+$0x4400]  }
0xe7: {  	v31 =	vtrunc.f32 v12;
	v12 =	vmul.f32 $2.550000000e+02, v13;
	v13 =	vld [tilespmem:s0+$0x4410];
	v14 =	vmin.u32 v14, $0xFF  }
0xe8: {  	v22 =	vtrunc.f32 v22;
	v15 =	vmul.f32 $2.550000000e+02, v15;
	v32 =	vld [tilespmem:s0+$0x4420];
	v14 =	vor.u32 v5, v14  }
0xe9: {  	v33 =	vtrunc.f32 v11;
	v11 =	vmul.f32 $2.550000000e+02, v16;
	v16 =	vld [tilespmem:s0+$0x4430]  }
0xea: {  	v34 =	vtrunc.f32 v12;
	v12 =	vmul.f32 $2.550000000e+02, v26;
	v26 =	vld [tilespmem:s0+$0x4440]  }
0xeb: {  	v35 =	vtrunc.f32 v15;
	v15 =	vmul.f32 $2.550000000e+02, v28;
	v28 =	vld [tilespmem:s0+$0x4450]  }
0xec: {  	v36 =	vtrunc.f32 v11;
	v11 =	vmul.f32 $2.550000000e+02, v13;
	v37 =	vld [tilespmem:s0+$0x4460]  }
0xed: {  	v38 =	vtrunc.f32 v12;
	v12 =	vmul.f32 $2.550000000e+02, v32;
	[tilespmem:v14+s19+$0x0] =	vst.idx.add.f32.msk $0xffff, v2  }
0xee: {  	v32 =	vtrunc.f32 v15;
	v14 =	vmul.f32 $2.550000000e+02, v16;
	[tilespmem:v17+s19+$0x0] =	vst.idx.add.f32.msk $0xffff, v2  }
0xef: {  	v13 =	vtrunc.f32 v11;
	v11 =	vmul.f32 $2.550000000e+02, v26;
	[tilespmem:v18+s19+$0x0] =	vst.idx.add.f32.msk $0xffff, v2  }
0xf0: {  	v15 =	vtrunc.f32 v12;
	v12 =	vmul.f32 $2.550000000e+02, v28;
	[tilespmem:v19+s19+$0x0] =	vst.idx.add.f32.msk $0xffff, v2  }
0xf1: {  	v14 =	vtrunc.f32 v14;
	v17 =	vmul.f32 $2.550000000e+02, v37;
	[tilespmem:v23+s19+$0x0] =	vst.idx.add.f32.msk $0xffff, v2  }
0xf2: {  	v16 =	vtrunc.f32 v11;
	v11 =	vtrunc.f32 v12;
	[tilespmem:v24+s19+$0x0] =	vst.idx.add.f32.msk $0xffff, v2  }
.Ltmp2:
0xf3: {  	v18 =	vcvt.f32.s32 v30;
	v12 =	vtrunc.f32 v17;
	[tilespmem:v25+s19+$0x0] =	vst.idx.add.f32.msk $0xffff, v2;
	(pc) =	sbr.rel @p0 .LBB2_7-.Ltmp2, $4  }
0xf4: {  	v22 =	vcvt.f32.s32 v22;
	v19 =	vcvt.f32.s32 v31;
	[tilespmem:v27+s19+$0x0] =	vst.idx.add.f32.msk $0xffff, v2  }
0xf5: {  	v24 =	vcvt.f32.s32 v34;
	v17 =	vmin.u32 v18, $0xFF;
	v25 =	vcvt.f32.s32 v33;
	[tilespmem:v20+s19+$0x0] =	vst.idx.add.f32.msk $0xffff, v2  }
0xf6: {  	v23 =	vcvt.f32.s32 v35;
	v18 =	vmin.u32 v19, $0xFF;
	v20 =	vcvt.f32.s32 v36;
	[tilespmem:v21+s19+$0x0] =	vst.idx.add.f32.msk $0xffff, v2  }
0xf7: {  	v19 =	vmin.u32 v22, $0xFF;
	v22 =	vcvt.f32.s32 v38;
	v21 =	vcvt.f32.s32 v32;
	[tilespmem:v29+s19+$0x0] =	vst.idx.add.f32.msk $0xffff, v2  }
0xf8: {  	_ =	sdelay $0x3  }
0xf9: {  	[tilespmem:v10+s19+$0x0] =	vst.idx.add.f32.msk $0xffff, v2;
	v10 =	vor.u32 v5, v17  }
0xfa: {  	[tilespmem:v9+s19+$0x0] =	vst.idx.add.f32.msk $0xffff, v2;
	v9 =	vor.u32 v5, v18  }
0xfb: {  	v17 =	vmin.u32 v25, $0xFF;
	[tilespmem:v8+s19+$0x0] =	vst.idx.add.f32.msk $0xffff, v2;
	v8 =	vor.u32 v5, v19  }
0xfc: {  	v18 =	vmin.u32 v24, $0xFF;
	[tilespmem:v7+s19+$0x0] =	vst.idx.add.f32.msk $0xffff, v2;
	v7 =	vor.u32 v5, v17  }
0xfd: {  	[tilespmem:v6+s19+$0x0] =	vst.idx.add.f32.msk $0xffff, v2;
	v17 =	vmin.u32 v23, $0xFF;
	v6 =	vor.u32 v5, v18  }
0xfe: {  	v18 =	vmin.u32 v20, $0xFF;
	v17 =	vor.u32 v5, v17;
	[tilespmem:v10+s19+$0x0] =	vst.idx.add.f32.msk $0xffff, v2  }
0xff: {  	v18 =	vor.u32 v5, v18;
	v10 =	vcvt.f32.s32 v13;
	v13 =	vmin.u32 v22, $0xFF;
	[tilespmem:v9+s19+$0x0] =	vst.idx.add.f32.msk $0xffff, v2  }
0x100: {  	v9 =	vcvt.f32.s32 v15;
	v15 =	vmin.u32 v21, $0xFF;
	[tilespmem:v8+s19+$0x0] =	vst.idx.add.f32.msk $0xffff, v2;
	v13 =	vor.u32 v5, v13  }
0x101: {  	v8 =	vcvt.f32.s32 v14;
	v14 =	vor.u32 v5, v15;
	[tilespmem:v7+s19+$0x0] =	vst.idx.add.f32.msk $0xffff, v2;
	v10 =	vmin.u32 v10, $0xFF  }
0x102: {  	v7 =	vcvt.f32.s32 v16;
	[tilespmem:v6+s19+$0x0] =	vst.idx.add.f32.msk $0xffff, v2;
	v9 =	vmin.u32 v9, $0xFF;
	v10 =	vor.u32 v5, v10  }
0x103: {  	v6 =	vcvt.f32.s32 v11;
	v8 =	vmin.u32 v8, $0xFF;
	[tilespmem:v17+s19+$0x0] =	vst.idx.add.f32.msk $0xffff, v2;
	v9 =	vor.u32 v5, v9  }
0x104: {  	v11 =	vcvt.f32.s32 v12;
	[tilespmem:v18+s19+$0x0] =	vst.idx.add.f32.msk $0xffff, v2;
	v7 =	vmin.u32 v7, $0xFF;
	v8 =	vor.u32 v5, v8  }
0x105: {  	v6 =	vmin.u32 v6, $0xFF;
	v7 =	vor.u32 v5, v7;
	[tilespmem:v13+s19+$0x0] =	vst.idx.add.f32.msk $0xffff, v2  }
0x106: {  	v11 =	vmin.u32 v11, $0xFF;
	v6 =	vor.u32 v5, v6;
	[tilespmem:v14+s19+$0x0] =	vst.idx.add.f32.msk $0xffff, v2  }
0x107: {  	v11 =	vor.u32 v5, v11;
	[tilespmem:v10+s19+$0x0] =	vst.idx.add.f32.msk $0xffff, v2  }
0x108: {  	[tilespmem:v9+s19+$0x0] =	vst.idx.add.f32.msk $0xffff, v2  }
0x109: {  	p0 =	seq.s32 s29, $0x17;
	[tilespmem:v8+s19+$0x0] =	vst.idx.add.f32.msk $0xffff, v2  }
0x10a: {  	s0 =	sadd.s32 @!p0 s30, s9;
	[tilespmem:v7+s19+$0x0] =	vst.idx.add.f32.msk $0xffff, v2  }
0x10b: {  	s0 =	sshrl.u32 @!p0 s0, $0x3;
	[tilespmem:v6+s19+$0x0] =	vst.idx.add.f32.msk $0xffff, v2  }
0x10c: {  	s15 =	simm.s32 @!p0 $0x0;
	s2 =	sadd.s32 @!p0 s1, s0;
	[tilespmem:v11+s19+$0x0] =	vst.idx.add.f32.msk $0xffff, v2  }
0x10d: {  	[tilespmem:s15], [sflag:$0x1] =	stream.linear.gather @!p0 [hbm4b:s2+s15], $0x2000, $0x38;
	[tilespmem:$0xC400] =	vst v63  }
0x10e: {  	s0 =	sadd.s32 @!p0 s3, s0;
	s2 =	simm.s32 @!p0 $0x4000  }
0x10f: {  	[tilespmem:s2], [sflag:$0x1] =	stream.linear.gather @!p0 [hbm4b:s0+s15], $0x2000, $0x38;
	[tilespmem:$0xC400] =	vst v63  }
0x110: {  	_ =	swait.ge [sflag:s20], $0x2000  }
0x111: {  	s21 =	simm.s32 $0x0;
	[sflag:s20] =	ssyncset.done $0x0  }
0x112: {  	s15 =	simm.s32 $0x0;
	s0 =	sand.u32 $0x800, s21;
	[sflag:s20] =	ssyncadd.s32 $0xFFFFE000  }
0x113: {  	s21 =	simm.s32 $0x0;
	s2 =	sand.u32 $0x1000, s15;
	_ =	swait.ge [sflag:s20], $0x2000  }
0x114: {  	s15 =	sand.u32 $0x380, s21;
	s0 =	sor.u32 s0, s2;
	[sflag:s20] =	ssyncset.done $0x0  }
0x115: {  	s30 =	sor.u32 s15, s0;
	[sflag:s20] =	ssyncadd.s32 $0xFFFFE000  }
0x116: {  	v6 =	vld [tilespmem:s30+$0x2470]  }
0x117: {  	v7 =	vld [tilespmem:s30+$0x2000]  }
0x118: {  	v8 =	vld [tilespmem:s30+$0x2010]  }
0x119: {  	v9 =	vld [tilespmem:s30+$0x2020]  }
0x11a: {  	v10 =	vld [tilespmem:s30+$0x2030]  }
0x11b: {  	v11 =	vld [tilespmem:s30+$0x2040]  }
0x11c: {  	v12 =	vld [tilespmem:s30+$0x2050]  }
0x11d: {  	v13 =	vld [tilespmem:s30+$0x2060]  }
0x11e: {  	v14 =	vld [tilespmem:s30+$0x2070]  }
0x11f: {  	v15 =	vld [tilespmem:s30+$0x2400]  }
0x120: {  	v16 =	vld [tilespmem:s30+$0x2410]  }
0x121: {  	v17 =	vld [tilespmem:s30+$0x2420]  }
0x122: {  	s31 =	simm.s32 $0x800;
	s15 =	simm.s32 $0x100;
	v18 =	vld [tilespmem:s30+$0x2430]  }
0x123: {  	s21 =	simm.s32 $0x40;
	s2 =	sand.u32 $0x800, s31;
	s0 =	sand.u32 $0x1000, s15;
	v19 =	vld [tilespmem:s30+$0x2440]  }
0x124: {  	s15 =	sand.u32 $0x380, s21;
	s0 =	sor.u32 s2, s0;
	v20 =	vld [tilespmem:s30+$0x2450]  }
0x125: {  	s0 =	sor.u32 s15, s0;
	v21 =	vld [tilespmem:s30+$0x2460];
	v6 =	vmul.f32 $2.550000000e+02, v6  }
0x126: {  	v22 =	vld [tilespmem:s0+$0x2000];
	v7 =	vmul.f32 $2.550000000e+02, v7;
	v8 =	vmul.f32 $2.550000000e+02, v8  }
0x127: {  	v23 =	vld [tilespmem:s0+$0x2010];
	v9 =	vmul.f32 $2.550000000e+02, v9;
	v10 =	vmul.f32 $2.550000000e+02, v10  }
0x128: {  	v24 =	vld [tilespmem:s0+$0x2020];
	v11 =	vmul.f32 $2.550000000e+02, v11;
	v12 =	vmul.f32 $2.550000000e+02, v12  }
0x129: {  	v25 =	vld [tilespmem:s0+$0x2030];
	v13 =	vmul.f32 $2.550000000e+02, v13;
	v14 =	vmul.f32 $2.550000000e+02, v14  }
0x12a: {  	v26 =	vld [tilespmem:s0+$0x2040];
	v15 =	vmul.f32 $2.550000000e+02, v15;
	v16 =	vmul.f32 $2.550000000e+02, v16  }
0x12b: {  	v27 =	vld [tilespmem:s0+$0x2050];
	v17 =	vmul.f32 $2.550000000e+02, v17;
	v18 =	vmul.f32 $2.550000000e+02, v18  }
0x12c: {  	v19 =	vmul.f32 $2.550000000e+02, v19;
	v20 =	vmul.f32 $2.550000000e+02, v20  }
0x12d: {  	v21 =	vmul.f32 $2.550000000e+02, v21;
	v22 =	vmul.f32 $2.550000000e+02, v22  }
0x12e: {  	v23 =	vmul.f32 $2.550000000e+02, v23;
	v24 =	vmul.f32 $2.550000000e+02, v24  }
0x12f: {  	v25 =	vmul.f32 $2.550000000e+02, v25;
	v26 =	vmul.f32 $2.550000000e+02, v26  }
0x130: {  	v27 =	vmul.f32 $2.550000000e+02, v27;
	v6 =	vtrunc.f32 v6  }
0x131: {  	v7 =	vtrunc.f32 v7;
	v8 =	vtrunc.f32 v8  }
0x132: {  	v9 =	vtrunc.f32 v9;
	v10 =	vtrunc.f32 v10  }
0x133: {  	v11 =	vtrunc.f32 v11;
	v12 =	vtrunc.f32 v12  }
0x134: {  	v13 =	vtrunc.f32 v13;
	v14 =	vtrunc.f32 v14  }
0x135: {  	v15 =	vtrunc.f32 v15;
	v16 =	vtrunc.f32 v16  }
0x136: {  	v17 =	vtrunc.f32 v17;
	v18 =	vtrunc.f32 v18  }
0x137: {  	v19 =	vtrunc.f32 v19;
	v20 =	vtrunc.f32 v20  }
0x138: {  	v21 =	vtrunc.f32 v21;
	v22 =	vtrunc.f32 v22  }
0x139: {  	v23 =	vtrunc.f32 v23;
	v24 =	vtrunc.f32 v24  }
0x13a: {  	v25 =	vtrunc.f32 v25;
	v26 =	vtrunc.f32 v26  }
0x13b: {  	v27 =	vtrunc.f32 v27;
	v6 =	vcvt.f32.s32 v6  }
0x13c: {  	v7 =	vcvt.f32.s32 v7;
	v8 =	vcvt.f32.s32 v8  }
0x13d: {  	v9 =	vcvt.f32.s32 v9;
	v10 =	vcvt.f32.s32 v10  }
0x13e: {  	v11 =	vcvt.f32.s32 v11;
	v12 =	vcvt.f32.s32 v12  }
0x13f: {  	v17 =	vcvt.f32.s32 v17;
	v18 =	vcvt.f32.s32 v18  }
0x140: {  	v28 =	vld [tilespmem:s0+$0x2060];
	v19 =	vcvt.f32.s32 v19;
	v20 =	vcvt.f32.s32 v20  }
0x141: {  	v29 =	vld [tilespmem:s0+$0x2070];
	v21 =	vcvt.f32.s32 v21;
	v25 =	vcvt.f32.s32 v25;
	v6 =	vmin.u32 v6, $0xFF  }
0x142: {  	v7 =	vmin.u32 v7, $0xFF;
	v8 =	vmin.u32 v8, $0xFF;
	v6 =	vor.u32 v4, v6  }
0x143: {  	v30 =	vld [tilespmem:s0+$0x2400];
	v9 =	vmin.u32 v9, $0xFF;
	v10 =	vmin.u32 v10, $0xFF;
	v11 =	vmin.u32 v11, $0xFF  }
0x144: {  	v32 =	vld [tilespmem:s0+$0x2420];
	v12 =	vmin.u32 v12, $0xFF;
	v17 =	vmin.u32 v17, $0xFF;
	v18 =	vmin.u32 v18, $0xFF  }
0x145: {  	v58 =	vld [tilespmem:s0+$0x2430];
	v19 =	vmin.u32 v19, $0xFF;
	v7 =	vor.u32 v4, v7;
	v33 =	vor.u32 v4, v10  }
0x146: {  	v60 =	vld [tilespmem:s0+$0x2450];
	v10 =	vmul.f32 $2.550000000e+02, v28;
	v34 =	vor.u32 v4, v11;
	v11 =	vmul.f32 $2.550000000e+02, v29  }
0x147: {  	v8 =	vor.u32 v4, v8;
	[tilespmem:v6+s19+$0x0] =	vst.idx.add.f32.msk $0xffff, v2;
	v6 =	vcvt.f32.s32 v13;
	v13 =	vcvt.f32.s32 v14  }
0x148: {  	v9 =	vor.u32 v4, v9;
	v14 =	vcvt.f32.s32 v15;
	v15 =	vcvt.f32.s32 v16;
	v16 =	vld [tilespmem:s0+$0x2470]  }
0x149: {  	v35 =	vor.u32 v4, v12;
	v12 =	vmul.f32 $2.550000000e+02, v30;
	v37 =	vtrunc.f32 v10  }
0x14a: {  	v20 =	vmin.u32 v20, $0xFF;
	v39 =	vtrunc.f32 v11;
	v11 =	vmul.f32 $2.550000000e+02, v32  }
0x14b: {  	v31 =	vld [tilespmem:s0+$0x2410];
	v21 =	vmin.u32 v21, $0xFF;
	v40 =	vtrunc.f32 v12;
	v12 =	vmul.f32 $2.550000000e+02, v58  }
0x14c: {  	v10 =	vor.u32 v4, v17;
	v17 =	vcvt.f32.s32 v22;
	v22 =	vcvt.f32.s32 v39;
	[tilespmem:v7+s19+$0x0] =	vst.idx.add.f32.msk $0xffff, v2  }
0x14d: {  	v7 =	vmul.f32 $2.550000000e+02, v60;
	[tilespmem:v9+s19+$0x0] =	vst.idx.add.f32.msk $0xffff, v2;
	v9 =	vor.u32 v4, v18;
	v16 =	vmul.f32 $2.550000000e+02, v16  }
0x14e: {  	[tilespmem:v8+s19+$0x0] =	vst.idx.add.f32.msk $0xffff, v2;
	v8 =	vor.u32 v4, v19;
	v18 =	vcvt.f32.s32 v23;
	v6 =	vmin.u32 v6, $0xFF  }
0x14f: {  	v59 =	vld [tilespmem:s0+$0x2440];
	v13 =	vmin.u32 v13, $0xFF;
	v36 =	vor.u32 v4, v6;
	v16 =	vtrunc.f32 v16  }
0x150: {  	v61 =	vld [tilespmem:s0+$0x2460];
	v14 =	vmin.u32 v14, $0xFF;
	v38 =	vor.u32 v4, v13;
	v16 =	vcvt.f32.s32 v16  }
0x151: {  	[tilespmem:v33+s19+$0x0] =	vst.idx.add.f32.msk $0xffff, v2;
	v19 =	vcvt.f32.s32 v24;
	v15 =	vmin.u32 v15, $0xFF;
	v62 =	vor.u32 v4, v14  }
0x152: {  	[tilespmem:v34+s19+$0x0] =	vst.idx.add.f32.msk $0xffff, v2;
	v24 =	vcvt.f32.s32 v26;
	v63 =	vor.u32 v4, v15;
	v16 =	vmin.u32 v16, $0xFF  }
0x153: {  	[tilespmem:v35+s19+$0x0] =	vst.idx.add.f32.msk $0xffff, v2;
	v23 =	vcvt.f32.s32 v27;
	v6 =	vmul.f32 $2.550000000e+02, v31;
	v16 =	vor.u32 v4, v16  }
0x154: {  	v17 =	vmin.u32 v17, $0xFF;
	v15 =	vtrunc.f32 v11;
	v14 =	vtrunc.f32 v12;
	[tilespmem:v36+s19+$0x0] =	vst.idx.add.f32.msk $0xffff, v2  }
0x155: {  	v18 =	vmin.u32 v18, $0xFF;
	v12 =	vmul.f32 $2.550000000e+02, v61;
	v11 =	vtrunc.f32 v7;
	[tilespmem:v38+s19+$0x0] =	vst.idx.add.f32.msk $0xffff, v2  }
0x156: {  	v19 =	vmin.u32 v19, $0xFF;
	v13 =	vtrunc.f32 v6;
	v6 =	vmul.f32 $2.550000000e+02, v59;
	[tilespmem:v62+s19+$0x0] =	vst.idx.add.f32.msk $0xffff, v2  }
0x157: {  	v7 =	vor.u32 v4, v20;
	v20 =	vcvt.f32.s32 v37;
	v12 =	vtrunc.f32 v12;
	[tilespmem:v63+s19+$0x0] =	vst.idx.add.f32.msk $0xffff, v2  }
0x158: {  	s2 =	simm.s32 $0x10;
	[tilespmem:v16+s19+$0x0] =	vst.idx.add.f32.msk $0xffff, v2;
	v16 =	vtrunc.f32 v6;
	v6 =	vor.u32 v4, v21;
	v21 =	vcvt.f32.s32 v40  }
.LBB2_9:
0x159: {  	s2 =	sadd.s32 $0x10, s2;
	v25 =	vmin.u32 v25, $0xFF;
	v13 =	vcvt.f32.s32 v13;
	v15 =	vcvt.f32.s32 v15;
	[tilespmem:v10+s19+$0x0] =	vst.idx.add.f32.msk $0xffff, v2  }
0x15a: {  	v10 =	vmin.u32 v24, $0xFF;
	v14 =	vcvt.f32.s32 v14;
	v16 =	vcvt.f32.s32 v16;
	s31 =	sadd.s32 $0x800, s31;
	s0 =	sshll.u32 s2, $0x4;
	p0 =	slt.u32 s2, $0x1F0;
	[tilespmem:v9+s19+$0x0] =	vst.idx.add.f32.msk $0xffff, v2  }
0x15b: {  	v11 =	vcvt.f32.s32 v11;
	v12 =	vcvt.f32.s32 v12;
	s15 =	sand.u32 $0x800, s31;
	s21 =	sshll.u32 s2, $0x2;
	v9 =	vmin.u32 v23, $0xFF;
	s0 =	sand.u32 $0x1000, s0;
	[tilespmem:v8+s19+$0x0] =	vst.idx.add.f32.msk $0xffff, v2  }
0x15c: {  	v21 =	vmin.u32 v21, $0xFF;
	s21 =	sand.u32 $0x380, s21;
	v8 =	vmin.u32 v20, $0xFF;
	v20 =	vmin.u32 v22, $0xFF;
	s0 =	sor.u32 s15, s0;
	[tilespmem:v7+s19+$0x0] =	vst.idx.add.f32.msk $0xffff, v2  }
0x15d: {  	v14 =	vmin.u32 v14, $0xFF;
	v7 =	vmin.u32 v13, $0xFF;
	v13 =	vmin.u32 v15, $0xFF;
	s0 =	sor.u32 s21, s0;
	[tilespmem:v6+s19+$0x0] =	vst.idx.add.f32.msk $0xffff, v2  }
0x15e: {  	v11 =	vmin.u32 v11, $0xFF;
	v12 =	vmin.u32 v12, $0xFF;
	v15 =	vmin.u32 v16, $0xFF;
	v6 =	vld [tilespmem:s0+$0x2470]  }
0x15f: {  	v17 =	vor.u32 v4, v17;
	v18 =	vor.u32 v4, v18;
	v19 =	vor.u32 v4, v19;
	v16 =	vld [tilespmem:s0+$0x2000]  }
0x160: {  	v23 =	vor.u32 v4, v25;
	v24 =	vor.u32 v4, v10;
	v25 =	vor.u32 v4, v9;
	v22 =	vld [tilespmem:s0+$0x2010]  }
0x161: {  	v21 =	vor.u32 v4, v21;
	v27 =	vor.u32 v4, v8;
	v20 =	vor.u32 v4, v20;
	v26 =	vld [tilespmem:s0+$0x2020]  }
0x162: {  	v9 =	vor.u32 v4, v14;
	v29 =	vor.u32 v4, v7;
	v10 =	vor.u32 v4, v13;
	v28 =	vld [tilespmem:s0+$0x2030]  }
0x163: {  	v8 =	vor.u32 v4, v15;
	v7 =	vor.u32 v4, v11;
	v13 =	vld [tilespmem:s0+$0x2040];
	v14 =	vmul.f32 $2.550000000e+02, v6  }
0x164: {  	v6 =	vor.u32 v4, v12;
	v11 =	vmul.f32 $2.550000000e+02, v16;
	v15 =	vld [tilespmem:s0+$0x2050]  }
0x165: {  	v12 =	vmul.f32 $2.550000000e+02, v22;
	v16 =	vld [tilespmem:s0+$0x2060];
	v14 =	vtrunc.f32 v14  }
0x166: {  	v22 =	vmul.f32 $2.550000000e+02, v26;
	v26 =	vld [tilespmem:s0+$0x2070];
	v14 =	vcvt.f32.s32 v14  }
0x167: {  	v30 =	vtrunc.f32 v11;
	v11 =	vmul.f32 $2.550000000e+02, v28;
	v28 =	vld [tilespmem:s0+$0x2400]  }
0x168: {  	v31 =	vtrunc.f32 v12;
	v12 =	vmul.f32 $2.550000000e+02, v13;
	v13 =	vld [tilespmem:s0+$0x2410];
	v14 =	vmin.u32 v14, $0xFF  }
0x169: {  	v22 =	vtrunc.f32 v22;
	v15 =	vmul.f32 $2.550000000e+02, v15;
	v32 =	vld [tilespmem:s0+$0x2420];
	v14 =	vor.u32 v4, v14  }
0x16a: {  	v33 =	vtrunc.f32 v11;
	v11 =	vmul.f32 $2.550000000e+02, v16;
	v16 =	vld [tilespmem:s0+$0x2430]  }
0x16b: {  	v34 =	vtrunc.f32 v12;
	v12 =	vmul.f32 $2.550000000e+02, v26;
	v26 =	vld [tilespmem:s0+$0x2440]  }
0x16c: {  	v35 =	vtrunc.f32 v15;
	v15 =	vmul.f32 $2.550000000e+02, v28;
	v28 =	vld [tilespmem:s0+$0x2450]  }
0x16d: {  	v36 =	vtrunc.f32 v11;
	v11 =	vmul.f32 $2.550000000e+02, v13;
	v37 =	vld [tilespmem:s0+$0x2460]  }
0x16e: {  	v38 =	vtrunc.f32 v12;
	v12 =	vmul.f32 $2.550000000e+02, v32;
	[tilespmem:v14+s19+$0x0] =	vst.idx.add.f32.msk $0xffff, v2  }
0x16f: {  	v32 =	vtrunc.f32 v15;
	v14 =	vmul.f32 $2.550000000e+02, v16;
	[tilespmem:v17+s19+$0x0] =	vst.idx.add.f32.msk $0xffff, v2  }
0x170: {  	v13 =	vtrunc.f32 v11;
	v11 =	vmul.f32 $2.550000000e+02, v26;
	[tilespmem:v18+s19+$0x0] =	vst.idx.add.f32.msk $0xffff, v2  }
0x171: {  	v15 =	vtrunc.f32 v12;
	v12 =	vmul.f32 $2.550000000e+02, v28;
	[tilespmem:v19+s19+$0x0] =	vst.idx.add.f32.msk $0xffff, v2  }
0x172: {  	v14 =	vtrunc.f32 v14;
	v17 =	vmul.f32 $2.550000000e+02, v37;
	[tilespmem:v23+s19+$0x0] =	vst.idx.add.f32.msk $0xffff, v2  }
0x173: {  	v16 =	vtrunc.f32 v11;
	v11 =	vtrunc.f32 v12;
	[tilespmem:v24+s19+$0x0] =	vst.idx.add.f32.msk $0xffff, v2  }
.Ltmp3:
0x174: {  	v18 =	vcvt.f32.s32 v30;
	v12 =	vtrunc.f32 v17;
	[tilespmem:v25+s19+$0x0] =	vst.idx.add.f32.msk $0xffff, v2;
	(pc) =	sbr.rel @p0 .LBB2_9-.Ltmp3, $4  }
0x175: {  	v22 =	vcvt.f32.s32 v22;
	v19 =	vcvt.f32.s32 v31;
	[tilespmem:v27+s19+$0x0] =	vst.idx.add.f32.msk $0xffff, v2  }
0x176: {  	v24 =	vcvt.f32.s32 v34;
	v17 =	vmin.u32 v18, $0xFF;
	v25 =	vcvt.f32.s32 v33;
	[tilespmem:v20+s19+$0x0] =	vst.idx.add.f32.msk $0xffff, v2  }
0x177: {  	v23 =	vcvt.f32.s32 v35;
	v18 =	vmin.u32 v19, $0xFF;
	v20 =	vcvt.f32.s32 v36;
	[tilespmem:v21+s19+$0x0] =	vst.idx.add.f32.msk $0xffff, v2  }
0x178: {  	v19 =	vmin.u32 v22, $0xFF;
	v22 =	vcvt.f32.s32 v38;
	v21 =	vcvt.f32.s32 v32;
	[tilespmem:v29+s19+$0x0] =	vst.idx.add.f32.msk $0xffff, v2  }
0x179: {  	_ =	sdelay $0x3  }
0x17a: {  	[tilespmem:v10+s19+$0x0] =	vst.idx.add.f32.msk $0xffff, v2;
	v10 =	vor.u32 v4, v17  }
0x17b: {  	[tilespmem:v9+s19+$0x0] =	vst.idx.add.f32.msk $0xffff, v2;
	v9 =	vor.u32 v4, v18  }
0x17c: {  	v17 =	vmin.u32 v25, $0xFF;
	[tilespmem:v8+s19+$0x0] =	vst.idx.add.f32.msk $0xffff, v2;
	v8 =	vor.u32 v4, v19  }
0x17d: {  	v18 =	vmin.u32 v24, $0xFF;
	[tilespmem:v7+s19+$0x0] =	vst.idx.add.f32.msk $0xffff, v2;
	v7 =	vor.u32 v4, v17  }
0x17e: {  	[tilespmem:v6+s19+$0x0] =	vst.idx.add.f32.msk $0xffff, v2;
	v17 =	vmin.u32 v23, $0xFF;
	v6 =	vor.u32 v4, v18  }
0x17f: {  	v18 =	vmin.u32 v20, $0xFF;
	v17 =	vor.u32 v4, v17;
	[tilespmem:v10+s19+$0x0] =	vst.idx.add.f32.msk $0xffff, v2  }
0x180: {  	v18 =	vor.u32 v4, v18;
	v10 =	vcvt.f32.s32 v13;
	v13 =	vmin.u32 v22, $0xFF;
	[tilespmem:v9+s19+$0x0] =	vst.idx.add.f32.msk $0xffff, v2  }
0x181: {  	v9 =	vcvt.f32.s32 v15;
	v15 =	vmin.u32 v21, $0xFF;
	[tilespmem:v8+s19+$0x0] =	vst.idx.add.f32.msk $0xffff, v2;
	v13 =	vor.u32 v4, v13  }
0x182: {  	v8 =	vcvt.f32.s32 v14;
	v14 =	vor.u32 v4, v15;
	[tilespmem:v7+s19+$0x0] =	vst.idx.add.f32.msk $0xffff, v2;
	v10 =	vmin.u32 v10, $0xFF  }
0x183: {  	v7 =	vcvt.f32.s32 v16;
	[tilespmem:v6+s19+$0x0] =	vst.idx.add.f32.msk $0xffff, v2;
	v9 =	vmin.u32 v9, $0xFF;
	v10 =	vor.u32 v4, v10  }
0x184: {  	v6 =	vcvt.f32.s32 v11;
	v8 =	vmin.u32 v8, $0xFF;
	[tilespmem:v17+s19+$0x0] =	vst.idx.add.f32.msk $0xffff, v2;
	v9 =	vor.u32 v4, v9  }
0x185: {  	v11 =	vcvt.f32.s32 v12;
	[tilespmem:v18+s19+$0x0] =	vst.idx.add.f32.msk $0xffff, v2;
	v7 =	vmin.u32 v7, $0xFF;
	v8 =	vor.u32 v4, v8  }
0x186: {  	v6 =	vmin.u32 v6, $0xFF;
	v7 =	vor.u32 v4, v7;
	[tilespmem:v13+s19+$0x0] =	vst.idx.add.f32.msk $0xffff, v2  }
0x187: {  	v11 =	vmin.u32 v11, $0xFF;
	v6 =	vor.u32 v4, v6;
	[tilespmem:v14+s19+$0x0] =	vst.idx.add.f32.msk $0xffff, v2  }
0x188: {  	v4 =	vor.u32 v4, v11;
	[tilespmem:v10+s19+$0x0] =	vst.idx.add.f32.msk $0xffff, v2  }
0x189: {  	[tilespmem:v9+s19+$0x0] =	vst.idx.add.f32.msk $0xffff, v2  }
0x18a: {  	[tilespmem:v8+s19+$0x0] =	vst.idx.add.f32.msk $0xffff, v2  }
0x18b: {  	[tilespmem:v7+s19+$0x0] =	vst.idx.add.f32.msk $0xffff, v2  }
0x18c: {  	[tilespmem:v6+s19+$0x0] =	vst.idx.add.f32.msk $0xffff, v2  }
0x18d: {  	[tilespmem:v4+s19+$0x0] =	vst.idx.add.f32.msk $0xffff, v2  }
0x18e: {  	v4 =	vld [tilespmem:s30+$0x6470]  }
0x18f: {  	v6 =	vld [tilespmem:s30+$0x6000]  }
0x190: {  	v7 =	vld [tilespmem:s30+$0x6010]  }
0x191: {  	v8 =	vld [tilespmem:s30+$0x6020]  }
0x192: {  	v9 =	vld [tilespmem:s30+$0x6030]  }
0x193: {  	v10 =	vld [tilespmem:s30+$0x6040]  }
0x194: {  	v11 =	vld [tilespmem:s30+$0x6050]  }
0x195: {  	v12 =	vld [tilespmem:s30+$0x6060]  }
0x196: {  	v13 =	vld [tilespmem:s30+$0x6070]  }
0x197: {  	v14 =	vld [tilespmem:s30+$0x6400]  }
0x198: {  	v15 =	vld [tilespmem:s30+$0x6410]  }
0x199: {  	v16 =	vld [tilespmem:s30+$0x6420]  }
0x19a: {  	v17 =	vld [tilespmem:s30+$0x6430];
	v4 =	vmul.f32 $2.550000000e+02, v4  }
0x19b: {  	v18 =	vld [tilespmem:s30+$0x6440];
	v6 =	vmul.f32 $2.550000000e+02, v6;
	v7 =	vmul.f32 $2.550000000e+02, v7  }
0x19c: {  	v19 =	vld [tilespmem:s30+$0x6450];
	v8 =	vmul.f32 $2.550000000e+02, v8;
	v9 =	vmul.f32 $2.550000000e+02, v9  }
0x19d: {  	v20 =	vld [tilespmem:s30+$0x6460];
	v10 =	vmul.f32 $2.550000000e+02, v10;
	v11 =	vmul.f32 $2.550000000e+02, v11  }
0x19e: {  	v12 =	vmul.f32 $2.550000000e+02, v12;
	v13 =	vmul.f32 $2.550000000e+02, v13  }
0x19f: {  	v14 =	vmul.f32 $2.550000000e+02, v14;
	v15 =	vmul.f32 $2.550000000e+02, v15  }
0x1a0: {  	v16 =	vmul.f32 $2.550000000e+02, v16;
	v17 =	vmul.f32 $2.550000000e+02, v17  }
0x1a1: {  	v18 =	vmul.f32 $2.550000000e+02, v18;
	v19 =	vmul.f32 $2.550000000e+02, v19  }
0x1a2: {  	v20 =	vmul.f32 $2.550000000e+02, v20;
	v4 =	vtrunc.f32 v4  }
0x1a3: {  	v6 =	vtrunc.f32 v6;
	v7 =	vtrunc.f32 v7  }
0x1a4: {  	v8 =	vtrunc.f32 v8;
	v9 =	vtrunc.f32 v9  }
0x1a5: {  	s0 =	simm.s32 $0x100;
	s30 =	simm.s32 $0x800;
	v10 =	vtrunc.f32 v10;
	v11 =	vtrunc.f32 v11  }
0x1a6: {  	s15 =	simm.s32 $0x40;
	s0 =	sand.u32 $0x1000, s0;
	s2 =	sand.u32 $0x800, s30;
	v12 =	vtrunc.f32 v12;
	v13 =	vtrunc.f32 v13  }
0x1a7: {  	s15 =	sand.u32 $0x380, s15;
	s0 =	sor.u32 s2, s0;
	v14 =	vtrunc.f32 v14;
	v15 =	vtrunc.f32 v15  }
0x1a8: {  	s0 =	sor.u32 s15, s0;
	v16 =	vtrunc.f32 v16;
	v17 =	vtrunc.f32 v17  }
0x1a9: {  	v21 =	vld [tilespmem:s0+$0x6000];
	v18 =	vtrunc.f32 v18;
	v19 =	vtrunc.f32 v19  }
0x1aa: {  	v22 =	vld [tilespmem:s0+$0x6010];
	v20 =	vtrunc.f32 v20;
	v4 =	vcvt.f32.s32 v4  }
0x1ab: {  	v23 =	vld [tilespmem:s0+$0x6020];
	v6 =	vcvt.f32.s32 v6;
	v7 =	vcvt.f32.s32 v7  }
0x1ac: {  	v24 =	vld [tilespmem:s0+$0x6030];
	v8 =	vcvt.f32.s32 v8;
	v9 =	vcvt.f32.s32 v9  }
0x1ad: {  	v25 =	vld [tilespmem:s0+$0x6040];
	v10 =	vcvt.f32.s32 v10;
	v11 =	vcvt.f32.s32 v11  }
0x1ae: {  	v26 =	vld [tilespmem:s0+$0x6050];
	v16 =	vcvt.f32.s32 v16;
	v17 =	vcvt.f32.s32 v17  }
0x1af: {  	v18 =	vcvt.f32.s32 v18;
	v19 =	vcvt.f32.s32 v19  }
0x1b0: {  	v20 =	vcvt.f32.s32 v20;
	v21 =	vmul.f32 $2.550000000e+02, v21  }
0x1b1: {  	v22 =	vmul.f32 $2.550000000e+02, v22;
	v23 =	vmul.f32 $2.550000000e+02, v23  }
0x1b2: {  	v24 =	vmul.f32 $2.550000000e+02, v24;
	v25 =	vmul.f32 $2.550000000e+02, v25  }
0x1b3: {  	v27 =	vld [tilespmem:s0+$0x6060];
	v26 =	vmul.f32 $2.550000000e+02, v26;
	v4 =	vmin.u32 v4, $0xFF;
	v6 =	vmin.u32 v6, $0xFF  }
0x1b4: {  	v28 =	vld [tilespmem:s0+$0x6070];
	v7 =	vmin.u32 v7, $0xFF;
	v8 =	vmin.u32 v8, $0xFF;
	v9 =	vmin.u32 v9, $0xFF  }
0x1b5: {  	v29 =	vld [tilespmem:s0+$0x6400];
	v10 =	vmin.u32 v10, $0xFF;
	v11 =	vmin.u32 v11, $0xFF;
	v16 =	vmin.u32 v16, $0xFF  }
0x1b6: {  	v17 =	vmin.u32 v17, $0xFF;
	v4 =	vor.u32 v5, v4;
	v21 =	vtrunc.f32 v21  }
0x1b7: {  	v18 =	vmin.u32 v18, $0xFF;
	v22 =	vtrunc.f32 v22;
	v23 =	vtrunc.f32 v23  }
0x1b8: {  	v31 =	vld [tilespmem:s0+$0x6420];
	v32 =	vor.u32 v5, v9;
	v24 =	vtrunc.f32 v24;
	v9 =	vmul.f32 $2.550000000e+02, v27  }
0x1b9: {  	v61 =	vld [tilespmem:s0+$0x6450];
	v33 =	vor.u32 v5, v10;
	v25 =	vtrunc.f32 v25;
	v10 =	vmul.f32 $2.550000000e+02, v28  }
0x1ba: {  	v27 =	vld [tilespmem:s0+$0x6430];
	v34 =	vor.u32 v5, v11;
	v26 =	vtrunc.f32 v26;
	v11 =	vmul.f32 $2.550000000e+02, v29  }
0x1bb: {  	v6 =	vor.u32 v5, v6;
	[tilespmem:v4+s19+$0x0] =	vst.idx.add.f32.msk $0xffff, v2;
	v4 =	vcvt.f32.s32 v12;
	v12 =	vcvt.f32.s32 v13  }
0x1bc: {  	v8 =	vor.u32 v5, v8;
	v13 =	vcvt.f32.s32 v14;
	v14 =	vcvt.f32.s32 v15;
	v15 =	vld [tilespmem:s0+$0x6470]  }
0x1bd: {  	v7 =	vor.u32 v5, v7;
	v24 =	vcvt.f32.s32 v24;
	v36 =	vtrunc.f32 v9  }
0x1be: {  	v19 =	vmin.u32 v19, $0xFF;
	v38 =	vtrunc.f32 v10;
	v10 =	vmul.f32 $2.550000000e+02, v31  }
0x1bf: {  	v30 =	vld [tilespmem:s0+$0x6410];
	v39 =	vtrunc.f32 v11;
	v9 =	vor.u32 v5, v16;
	v16 =	vcvt.f32.s32 v21  }
0x1c0: {  	v20 =	vmin.u32 v20, $0xFF;
	v21 =	vcvt.f32.s32 v38;
	v11 =	vmul.f32 $2.550000000e+02, v27;
	[tilespmem:v6+s19+$0x0] =	vst.idx.add.f32.msk $0xffff, v2  }
0x1c1: {  	v6 =	vmul.f32 $2.550000000e+02, v61;
	[tilespmem:v8+s19+$0x0] =	vst.idx.add.f32.msk $0xffff, v2;
	v8 =	vor.u32 v5, v17;
	v15 =	vmul.f32 $2.550000000e+02, v15  }
0x1c2: {  	[tilespmem:v7+s19+$0x0] =	vst.idx.add.f32.msk $0xffff, v2;
	v7 =	vor.u32 v5, v18;
	v17 =	vcvt.f32.s32 v22;
	v4 =	vmin.u32 v4, $0xFF  }
0x1c3: {  	v60 =	vld [tilespmem:s0+$0x6440];
	v12 =	vmin.u32 v12, $0xFF;
	v35 =	vor.u32 v5, v4;
	v15 =	vtrunc.f32 v15  }
0x1c4: {  	v62 =	vld [tilespmem:s0+$0x6460];
	v13 =	vmin.u32 v13, $0xFF;
	v37 =	vor.u32 v5, v12;
	v15 =	vcvt.f32.s32 v15  }
0x1c5: {  	[tilespmem:v32+s19+$0x0] =	vst.idx.add.f32.msk $0xffff, v2;
	v18 =	vcvt.f32.s32 v23;
	v14 =	vmin.u32 v14, $0xFF;
	v63 =	vor.u32 v5, v13  }
0x1c6: {  	[tilespmem:v33+s19+$0x0] =	vst.idx.add.f32.msk $0xffff, v2;
	v23 =	vcvt.f32.s32 v25;
	v27 =	vor.u32 v5, v14;
	v15 =	vmin.u32 v15, $0xFF  }
0x1c7: {  	[tilespmem:v34+s19+$0x0] =	vst.idx.add.f32.msk $0xffff, v2;
	v22 =	vcvt.f32.s32 v26;
	v4 =	vmul.f32 $2.550000000e+02, v30;
	v15 =	vor.u32 v5, v15  }
0x1c8: {  	v16 =	vmin.u32 v16, $0xFF;
	v14 =	vtrunc.f32 v10;
	v13 =	vtrunc.f32 v11;
	[tilespmem:v35+s19+$0x0] =	vst.idx.add.f32.msk $0xffff, v2  }
0x1c9: {  	v17 =	vmin.u32 v17, $0xFF;
	v11 =	vmul.f32 $2.550000000e+02, v62;
	v10 =	vtrunc.f32 v6;
	[tilespmem:v37+s19+$0x0] =	vst.idx.add.f32.msk $0xffff, v2  }
0x1ca: {  	v18 =	vmin.u32 v18, $0xFF;
	v12 =	vtrunc.f32 v4;
	v4 =	vmul.f32 $2.550000000e+02, v60;
	[tilespmem:v63+s19+$0x0] =	vst.idx.add.f32.msk $0xffff, v2  }
0x1cb: {  	v6 =	vor.u32 v5, v19;
	v19 =	vcvt.f32.s32 v36;
	v11 =	vtrunc.f32 v11;
	[tilespmem:v27+s19+$0x0] =	vst.idx.add.f32.msk $0xffff, v2  }
0x1cc: {  	s2 =	simm.s32 $0x10;
	[tilespmem:v15+s19+$0x0] =	vst.idx.add.f32.msk $0xffff, v2;
	v15 =	vtrunc.f32 v4;
	v4 =	vor.u32 v5, v20;
	v20 =	vcvt.f32.s32 v39  }
.LBB2_11:
0x1cd: {  	s2 =	sadd.s32 $0x10, s2;
	v24 =	vmin.u32 v24, $0xFF;
	v12 =	vcvt.f32.s32 v12;
	v14 =	vcvt.f32.s32 v14;
	[tilespmem:v9+s19+$0x0] =	vst.idx.add.f32.msk $0xffff, v2  }
0x1ce: {  	v9 =	vmin.u32 v23, $0xFF;
	v13 =	vcvt.f32.s32 v13;
	v15 =	vcvt.f32.s32 v15;
	s30 =	sadd.s32 $0x800, s30;
	s0 =	sshll.u32 s2, $0x4;
	p0 =	slt.u32 s2, $0x1F0;
	[tilespmem:v8+s19+$0x0] =	vst.idx.add.f32.msk $0xffff, v2  }
0x1cf: {  	v10 =	vcvt.f32.s32 v10;
	v11 =	vcvt.f32.s32 v11;
	s15 =	sand.u32 $0x800, s30;
	s21 =	sshll.u32 s2, $0x2;
	v8 =	vmin.u32 v22, $0xFF;
	s0 =	sand.u32 $0x1000, s0;
	[tilespmem:v7+s19+$0x0] =	vst.idx.add.f32.msk $0xffff, v2  }
0x1d0: {  	v20 =	vmin.u32 v20, $0xFF;
	s21 =	sand.u32 $0x380, s21;
	v7 =	vmin.u32 v19, $0xFF;
	v19 =	vmin.u32 v21, $0xFF;
	s0 =	sor.u32 s15, s0;
	[tilespmem:v6+s19+$0x0] =	vst.idx.add.f32.msk $0xffff, v2  }
0x1d1: {  	v13 =	vmin.u32 v13, $0xFF;
	v6 =	vmin.u32 v12, $0xFF;
	v12 =	vmin.u32 v14, $0xFF;
	s0 =	sor.u32 s21, s0;
	[tilespmem:v4+s19+$0x0] =	vst.idx.add.f32.msk $0xffff, v2  }
0x1d2: {  	v10 =	vmin.u32 v10, $0xFF;
	v11 =	vmin.u32 v11, $0xFF;
	v14 =	vmin.u32 v15, $0xFF;
	v4 =	vld [tilespmem:s0+$0x6470]  }
0x1d3: {  	v16 =	vor.u32 v5, v16;
	v17 =	vor.u32 v5, v17;
	v18 =	vor.u32 v5, v18;
	v15 =	vld [tilespmem:s0+$0x6000]  }
0x1d4: {  	v22 =	vor.u32 v5, v24;
	v23 =	vor.u32 v5, v9;
	v24 =	vor.u32 v5, v8;
	v21 =	vld [tilespmem:s0+$0x6010]  }
0x1d5: {  	v20 =	vor.u32 v5, v20;
	v26 =	vor.u32 v5, v7;
	v19 =	vor.u32 v5, v19;
	v25 =	vld [tilespmem:s0+$0x6020]  }
0x1d6: {  	v8 =	vor.u32 v5, v13;
	v28 =	vor.u32 v5, v6;
	v9 =	vor.u32 v5, v12;
	v27 =	vld [tilespmem:s0+$0x6030]  }
0x1d7: {  	v7 =	vor.u32 v5, v14;
	v6 =	vor.u32 v5, v10;
	v12 =	vld [tilespmem:s0+$0x6040];
	v13 =	vmul.f32 $2.550000000e+02, v4  }
0x1d8: {  	v4 =	vor.u32 v5, v11;
	v10 =	vmul.f32 $2.550000000e+02, v15;
	v14 =	vld [tilespmem:s0+$0x6050]  }
0x1d9: {  	v11 =	vmul.f32 $2.550000000e+02, v21;
	v15 =	vld [tilespmem:s0+$0x6060];
	v13 =	vtrunc.f32 v13  }
0x1da: {  	v21 =	vmul.f32 $2.550000000e+02, v25;
	v25 =	vld [tilespmem:s0+$0x6070];
	v13 =	vcvt.f32.s32 v13  }
0x1db: {  	v29 =	vtrunc.f32 v10;
	v10 =	vmul.f32 $2.550000000e+02, v27;
	v27 =	vld [tilespmem:s0+$0x6400]  }
0x1dc: {  	v30 =	vtrunc.f32 v11;
	v11 =	vmul.f32 $2.550000000e+02, v12;
	v12 =	vld [tilespmem:s0+$0x6410];
	v13 =	vmin.u32 v13, $0xFF  }
0x1dd: {  	v21 =	vtrunc.f32 v21;
	v14 =	vmul.f32 $2.550000000e+02, v14;
	v31 =	vld [tilespmem:s0+$0x6420];
	v13 =	vor.u32 v5, v13  }
0x1de: {  	v32 =	vtrunc.f32 v10;
	v10 =	vmul.f32 $2.550000000e+02, v15;
	v15 =	vld [tilespmem:s0+$0x6430]  }
0x1df: {  	v33 =	vtrunc.f32 v11;
	v11 =	vmul.f32 $2.550000000e+02, v25;
	v25 =	vld [tilespmem:s0+$0x6440]  }
0x1e0: {  	v34 =	vtrunc.f32 v14;
	v14 =	vmul.f32 $2.550000000e+02, v27;
	v27 =	vld [tilespmem:s0+$0x6450]  }
0x1e1: {  	v35 =	vtrunc.f32 v10;
	v10 =	vmul.f32 $2.550000000e+02, v12;
	v36 =	vld [tilespmem:s0+$0x6460]  }
0x1e2: {  	v37 =	vtrunc.f32 v11;
	v11 =	vmul.f32 $2.550000000e+02, v31;
	[tilespmem:v13+s19+$0x0] =	vst.idx.add.f32.msk $0xffff, v2  }
0x1e3: {  	v31 =	vtrunc.f32 v14;
	v13 =	vmul.f32 $2.550000000e+02, v15;
	[tilespmem:v16+s19+$0x0] =	vst.idx.add.f32.msk $0xffff, v2  }
0x1e4: {  	v12 =	vtrunc.f32 v10;
	v10 =	vmul.f32 $2.550000000e+02, v25;
	[tilespmem:v17+s19+$0x0] =	vst.idx.add.f32.msk $0xffff, v2  }
0x1e5: {  	v14 =	vtrunc.f32 v11;
	v11 =	vmul.f32 $2.550000000e+02, v27;
	[tilespmem:v18+s19+$0x0] =	vst.idx.add.f32.msk $0xffff, v2  }
0x1e6: {  	v13 =	vtrunc.f32 v13;
	v16 =	vmul.f32 $2.550000000e+02, v36;
	[tilespmem:v22+s19+$0x0] =	vst.idx.add.f32.msk $0xffff, v2  }
0x1e7: {  	v15 =	vtrunc.f32 v10;
	v10 =	vtrunc.f32 v11;
	[tilespmem:v23+s19+$0x0] =	vst.idx.add.f32.msk $0xffff, v2  }
.Ltmp4:
0x1e8: {  	v17 =	vcvt.f32.s32 v29;
	v11 =	vtrunc.f32 v16;
	[tilespmem:v24+s19+$0x0] =	vst.idx.add.f32.msk $0xffff, v2;
	(pc) =	sbr.rel @p0 .LBB2_11-.Ltmp4, $4  }
0x1e9: {  	v21 =	vcvt.f32.s32 v21;
	v18 =	vcvt.f32.s32 v30;
	[tilespmem:v26+s19+$0x0] =	vst.idx.add.f32.msk $0xffff, v2  }
0x1ea: {  	v23 =	vcvt.f32.s32 v33;
	v16 =	vmin.u32 v17, $0xFF;
	v24 =	vcvt.f32.s32 v32;
	[tilespmem:v19+s19+$0x0] =	vst.idx.add.f32.msk $0xffff, v2  }
0x1eb: {  	v22 =	vcvt.f32.s32 v34;
	v17 =	vmin.u32 v18, $0xFF;
	v19 =	vcvt.f32.s32 v35;
	[tilespmem:v20+s19+$0x0] =	vst.idx.add.f32.msk $0xffff, v2  }
0x1ec: {  	v18 =	vmin.u32 v21, $0xFF;
	v21 =	vcvt.f32.s32 v37;
	v20 =	vcvt.f32.s32 v31;
	[tilespmem:v28+s19+$0x0] =	vst.idx.add.f32.msk $0xffff, v2  }
0x1ed: {  	_ =	sdelay $0x3  }
0x1ee: {  	[tilespmem:v9+s19+$0x0] =	vst.idx.add.f32.msk $0xffff, v2;
	v48 =	vor.u32 v5, v16  }
0x1ef: {  	[tilespmem:v8+s19+$0x0] =	vst.idx.add.f32.msk $0xffff, v2;
	v49 =	vor.u32 v5, v17  }
0x1f0: {  	v50 =	vmin.u32 v24, $0xFF;
	[tilespmem:v7+s19+$0x0] =	vst.idx.add.f32.msk $0xffff, v2;
	v51 =	vor.u32 v5, v18  }
0x1f1: {  	v52 =	vmin.u32 v23, $0xFF;
	[tilespmem:v6+s19+$0x0] =	vst.idx.add.f32.msk $0xffff, v2;
	v53 =	vor.u32 v5, v50  }
0x1f2: {  	v54 =	vmin.u32 v22, $0xFF;
	[tilespmem:v4+s19+$0x0] =	vst.idx.add.f32.msk $0xffff, v2;
	v4 =	vor.u32 v5, v52  }
0x1f3: {  	v55 =	vmin.u32 v19, $0xFF;
	v16 =	vor.u32 v5, v54;
	[tilespmem:v48+s19+$0x0] =	vst.idx.add.f32.msk $0xffff, v2  }
0x1f4: {  	v56 =	vcvt.f32.s32 v12;
	v57 =	vmin.u32 v21, $0xFF;
	v17 =	vor.u32 v5, v55;
	[tilespmem:v49+s19+$0x0] =	vst.idx.add.f32.msk $0xffff, v2  }
0x1f5: {  	v58 =	vcvt.f32.s32 v14;
	v59 =	vmin.u32 v20, $0xFF;
	v12 =	vor.u32 v5, v57;
	[tilespmem:v51+s19+$0x0] =	vst.idx.add.f32.msk $0xffff, v2  }
0x1f6: {  	v60 =	vcvt.f32.s32 v13;
	v9 =	vmin.u32 v56, $0xFF;
	v61 =	vor.u32 v5, v59;
	[tilespmem:v53+s19+$0x0] =	vst.idx.add.f32.msk $0xffff, v2  }
0x1f7: {  	v62 =	vcvt.f32.s32 v15;
	v8 =	vmin.u32 v58, $0xFF;
	v9 =	vor.u32 v5, v9;
	[tilespmem:v4+s19+$0x0] =	vst.idx.add.f32.msk $0xffff, v2  }
0x1f8: {  	v7 =	vmin.u32 v60, $0xFF;
	v8 =	vor.u32 v5, v8;
	v4 =	vcvt.f32.s32 v10;
	[tilespmem:v16+s19+$0x0] =	vst.idx.add.f32.msk $0xffff, v2  }
0x1f9: {  	v63 =	vcvt.f32.s32 v11;
	v6 =	vmin.u32 v62, $0xFF;
	v7 =	vor.u32 v5, v7;
	[tilespmem:v17+s19+$0x0] =	vst.idx.add.f32.msk $0xffff, v2  }
0x1fa: {  	v6 =	vor.u32 v5, v6;
	[tilespmem:v12+s19+$0x0] =	vst.idx.add.f32.msk $0xffff, v2;
	v4 =	vmin.u32 v4, $0xFF  }
0x1fb: {  	s29 =	sadd.s32 $0x1, s29;
	v10 =	vmin.u32 v63, $0xFF;
	[tilespmem:v61+s19+$0x0] =	vst.idx.add.f32.msk $0xffff, v2;
	v4 =	vor.u32 v5, v4  }
0x1fc: {  	p0 =	sne.s32 s29, $0x18;
	[tilespmem:v9+s19+$0x0] =	vst.idx.add.f32.msk $0xffff, v2;
	v5 =	vor.u32 v5, v10  }
.Ltmp5:
0x1fd: {  	[tilespmem:v8+s19+$0x0] =	vst.idx.add.f32.msk $0xffff, v2;
	(pc) =	sbr.rel @p0 .LBB2_4-.Ltmp5, $4  }
0x1fe: {  	[tilespmem:v7+s19+$0x0] =	vst.idx.add.f32.msk $0xffff, v2  }
0x1ff: {  	[tilespmem:v6+s19+$0x0] =	vst.idx.add.f32.msk $0xffff, v2  }
0x200: {  	[tilespmem:v4+s19+$0x0] =	vst.idx.add.f32.msk $0xffff, v2  }
0x201: {  	[tilespmem:v5+s19+$0x0] =	vst.idx.add.f32.msk $0xffff, v2  }
0x202: {  	s0 =	simm.s32 $0x0;
	s21 =	simm.s32 $0x8000  }
0x203: {  	s28 =	sand.u32 $0xF0, s0;
	v5 =	vld [tilespmem:s21+$0x0]  }
0x204: {  	v4 =	vld [tilespmem:s28+$0x8100];
	_ =	sdelay $0x1  }
0x205: {  	v6 =	vld [tilespmem:s28+$0x8200];
	_ =	sdelay $0x1  }
0x206: {  	v7 =	vld [tilespmem:s28+$0x8300]  }
0x207: {  	v4 =	vadd.f32 v4, v5  }
0x208: {  	v5 =	vld [tilespmem:s28+$0x8400]  }
0x209: {  	v4 =	vadd.f32 v6, v4  }
0x20a: {  	v6 =	vld [tilespmem:s28+$0x8500]  }
0x20b: {  	v4 =	vadd.f32 v7, v4  }
0x20c: {  	v7 =	vld [tilespmem:s28+$0x8600]  }
0x20d: {  	v4 =	vadd.f32 v5, v4  }
0x20e: {  	v5 =	vld [tilespmem:s28+$0x8700]  }
0x20f: {  	v4 =	vadd.f32 v6, v4  }
0x210: {  	v6 =	vld [tilespmem:s28+$0x8800]  }
0x211: {  	v4 =	vadd.f32 v7, v4  }
0x212: {  	v7 =	vld [tilespmem:s28+$0x8900]  }
0x213: {  	v4 =	vadd.f32 v5, v4  }
0x214: {  	v5 =	vld [tilespmem:s28+$0x8A00]  }
0x215: {  	v4 =	vadd.f32 v6, v4  }
0x216: {  	v6 =	vld [tilespmem:s28+$0x8B00]  }
0x217: {  	v4 =	vadd.f32 v7, v4  }
0x218: {  	v7 =	vld [tilespmem:s28+$0x8C00]  }
0x219: {  	v4 =	vadd.f32 v5, v4  }
0x21a: {  	v5 =	vld [tilespmem:s28+$0x8D00]  }
0x21b: {  	v4 =	vadd.f32 v6, v4  }
0x21c: {  	v6 =	vld [tilespmem:s28+$0x8E00]  }
0x21d: {  	v4 =	vadd.f32 v7, v4  }
0x21e: {  	v7 =	vld [tilespmem:s28+$0x8F00]  }
0x21f: {  	v4 =	vadd.f32 v5, v4;
	_ =	sdelay $0x1  }
0x220: {  	v4 =	vadd.f32 v6, v4;
	_ =	sdelay $0x1  }
0x221: {  	v4 =	vadd.f32 v7, v4  }
0x222: {  	s29 =	simm.s32 $0xC000;
	s2 =	simm.s32 $0x10  }
0x223: {  	s30 =	sand.u32 $0xF0, s2;
	[tilespmem:s29+$0x0] =	vst v4  }
0x224: {  	s31 =	simm.s32 $0x8010;
	s0 =	simm.s32 $0x20;
	v4 =	vld [tilespmem:s30+$0x8100]  }
.LBB2_14:
0x225: {  	p0 =	sne.s32 s0, $0xF0;
	v5 =	vld [tilespmem:s31+$0x0];
	_ =	sdelay $0x1  }
0x226: {  	v6 =	vld [tilespmem:s30+$0x8200];
	_ =	sdelay $0x1  }
0x227: {  	v7 =	vld [tilespmem:s30+$0x8300]  }
0x228: {  	v4 =	vadd.f32 v4, v5  }
0x229: {  	v5 =	vld [tilespmem:s30+$0x8400]  }
0x22a: {  	v4 =	vadd.f32 v6, v4  }
0x22b: {  	v6 =	vld [tilespmem:s30+$0x8500]  }
0x22c: {  	v4 =	vadd.f32 v7, v4  }
0x22d: {  	v7 =	vld [tilespmem:s30+$0x8600]  }
0x22e: {  	v4 =	vadd.f32 v5, v4  }
0x22f: {  	v5 =	vld [tilespmem:s30+$0x8700]  }
0x230: {  	v4 =	vadd.f32 v6, v4  }
0x231: {  	v6 =	vld [tilespmem:s30+$0x8800]  }
0x232: {  	v4 =	vadd.f32 v7, v4  }
0x233: {  	v7 =	vld [tilespmem:s30+$0x8900]  }
0x234: {  	v4 =	vadd.f32 v5, v4  }
0x235: {  	v5 =	vld [tilespmem:s30+$0x8A00]  }
0x236: {  	v4 =	vadd.f32 v6, v4  }
0x237: {  	v6 =	vld [tilespmem:s30+$0x8B00]  }
0x238: {  	v4 =	vadd.f32 v7, v4  }
0x239: {  	v7 =	vld [tilespmem:s30+$0x8C00]  }
0x23a: {  	v4 =	vadd.f32 v5, v4  }
0x23b: {  	v5 =	vld [tilespmem:s30+$0x8D00]  }
0x23c: {  	v4 =	vadd.f32 v6, v4  }
0x23d: {  	v6 =	vld [tilespmem:s30+$0x8E00]  }
0x23e: {  	v4 =	vadd.f32 v7, v4  }
0x23f: {  	v7 =	vld [tilespmem:s30+$0x8F00]  }
0x240: {  	v4 =	vadd.f32 v5, v4;
	_ =	sdelay $0x1  }
0x241: {  	v4 =	vadd.f32 v6, v4  }
.Ltmp6:
0x242: {  	(pc) =	sbr.rel @p0 .LBB2_14-.Ltmp6, $4  }
0x243: {  	v4 =	vadd.f32 v7, v4  }
0x244: {  	s29 =	sadd.s32 $0x10, s29  }
0x245: {  	s30 =	sand.u32 $0xF0, s0;
	[tilespmem:s29+$0x0] =	vst v4  }
0x246: {  	s31 =	sadd.s32 $0x10, s31;
	s0 =	sadd.s32 $0x10, s0;
	v4 =	vld [tilespmem:s30+$0x8100]  }
0x247: {  	v5 =	vld [tilespmem:s31+$0x0];
	_ =	sdelay $0x1  }
0x248: {  	v6 =	vld [tilespmem:s30+$0x8200];
	_ =	sdelay $0x1  }
0x249: {  	v7 =	vld [tilespmem:s30+$0x8300]  }
0x24a: {  	v4 =	vadd.f32 v4, v5  }
0x24b: {  	v5 =	vld [tilespmem:s30+$0x8400]  }
0x24c: {  	v4 =	vadd.f32 v6, v4  }
0x24d: {  	v6 =	vld [tilespmem:s30+$0x8500]  }
0x24e: {  	v4 =	vadd.f32 v7, v4  }
0x24f: {  	v7 =	vld [tilespmem:s30+$0x8600]  }
0x250: {  	v4 =	vadd.f32 v5, v4  }
0x251: {  	v5 =	vld [tilespmem:s30+$0x8700]  }
0x252: {  	v4 =	vadd.f32 v6, v4  }
0x253: {  	v6 =	vld [tilespmem:s30+$0x8800]  }
0x254: {  	v4 =	vadd.f32 v7, v4  }
0x255: {  	v7 =	vld [tilespmem:s30+$0x8900]  }
0x256: {  	v4 =	vadd.f32 v5, v4  }
0x257: {  	v5 =	vld [tilespmem:s30+$0x8A00]  }
0x258: {  	v4 =	vadd.f32 v6, v4  }
0x259: {  	v6 =	vld [tilespmem:s30+$0x8B00]  }
0x25a: {  	v4 =	vadd.f32 v7, v4  }
0x25b: {  	v7 =	vld [tilespmem:s30+$0x8C00]  }
0x25c: {  	v4 =	vadd.f32 v5, v4  }
0x25d: {  	v5 =	vld [tilespmem:s30+$0x8D00]  }
0x25e: {  	v4 =	vadd.f32 v6, v4  }
0x25f: {  	v6 =	vld [tilespmem:s30+$0x8E00]  }
0x260: {  	v4 =	vadd.f32 v7, v4  }
0x261: {  	v7 =	vld [tilespmem:s30+$0x8F00]  }
0x262: {  	v4 =	vadd.f32 v5, v4;
	_ =	sdelay $0x1  }
0x263: {  	v4 =	vadd.f32 v6, v4;
	_ =	sdelay $0x1  }
0x264: {  	v4 =	vadd.f32 v7, v4  }
0x265: {  	s0 =	sadd.s32 $0x10, s29  }
0x266: {  	[tilespmem:s0+$0x0] =	vst v4  }
0x267: {  	v4 =	vld [tilespmem:s28+$0x9000]  }
0x268: {  	v5 =	vld [tilespmem:s28+$0x9100];
	_ =	sdelay $0x1  }
0x269: {  	v6 =	vld [tilespmem:s28+$0x9200];
	_ =	sdelay $0x1  }
0x26a: {  	v7 =	vld [tilespmem:s28+$0x9300]  }
0x26b: {  	v4 =	vadd.f32 v5, v4  }
0x26c: {  	v5 =	vld [tilespmem:s28+$0x9400]  }
0x26d: {  	v4 =	vadd.f32 v6, v4  }
0x26e: {  	v6 =	vld [tilespmem:s28+$0x9500]  }
0x26f: {  	v4 =	vadd.f32 v7, v4  }
0x270: {  	v7 =	vld [tilespmem:s28+$0x9600]  }
0x271: {  	v4 =	vadd.f32 v5, v4  }
0x272: {  	v5 =	vld [tilespmem:s28+$0x9700]  }
0x273: {  	s2 =	sand.u32 $0xF0, s2;
	v8 =	vld [tilespmem:s28+$0x9800];
	v4 =	vadd.f32 v6, v4  }
0x274: {  	v9 =	vld [tilespmem:s2+$0x9000]  }
0x275: {  	v6 =	vld [tilespmem:s28+$0x9900];
	v4 =	vadd.f32 v7, v4  }
0x276: {  	v7 =	vld [tilespmem:s2+$0x9100]  }
0x277: {  	v10 =	vld [tilespmem:s2+$0x9200];
	v4 =	vadd.f32 v5, v4  }
0x278: {  	v5 =	vld [tilespmem:s28+$0x9A00]  }
0x279: {  	v11 =	vld [tilespmem:s2+$0x9300];
	v4 =	vadd.f32 v8, v4  }
0x27a: {  	v8 =	vld [tilespmem:s28+$0x9B00]  }
0x27b: {  	v7 =	vadd.f32 v7, v9;
	v9 =	vld [tilespmem:s2+$0x9400];
	v4 =	vadd.f32 v6, v4  }
0x27c: {  	v6 =	vld [tilespmem:s28+$0x9C00]  }
0x27d: {  	v12 =	vld [tilespmem:s2+$0x9500];
	v7 =	vadd.f32 v10, v7;
	v4 =	vadd.f32 v5, v4  }
0x27e: {  	v10 =	vld [tilespmem:s28+$0x9D00]  }
0x27f: {  	v13 =	vld [tilespmem:s2+$0x9600];
	v5 =	vadd.f32 v11, v7;
	v4 =	vadd.f32 v8, v4  }
0x280: {  	v11 =	vld [tilespmem:s28+$0x9E00]  }
0x281: {  	v7 =	vld [tilespmem:s2+$0x9700];
	v8 =	vadd.f32 v9, v5;
	v6 =	vadd.f32 v6, v4  }
0x282: {  	v5 =	vld [tilespmem:s28+$0x9F00]  }
0x283: {  	s31 =	simm.s32 $0x20;
	v4 =	vld [tilespmem:s2+$0x9900];
	v9 =	vadd.f32 v12, v8;
	v10 =	vadd.f32 v10, v6  }
0x284: {  	s29 =	sand.u32 $0xF0, s31;
	v8 =	vld [tilespmem:s2+$0x9800]  }
0x285: {  	s0 =	simm.s32 $0x30;
	v6 =	vld [tilespmem:s29+$0x9000];
	v9 =	vadd.f32 v13, v9;
	v10 =	vadd.f32 v11, v10  }
.LBB2_16:
0x286: {  	p0 =	sne.s32 s0, $0xF0;
	v11 =	vld [tilespmem:s29+$0x9100]  }
0x287: {  	v7 =	vadd.f32 v7, v9;
	v9 =	vld [tilespmem:s2+$0x9A00];
	v5 =	vadd.f32 v5, v10  }
0x288: {  	v10 =	vld [tilespmem:s29+$0x9200]  }
0x289: {  	v7 =	vadd.f32 v8, v7;
	v8 =	vld [tilespmem:s2+$0x9B00];
	[tilespmem:s28+$0xC100] =	vst v5;
	s28 =	smov.u32 s2;
	s2 =	smov.u32 s29  }
0x28a: {  	v5 =	vld [tilespmem:s2+$0x9300]  }
0x28b: {  	v6 =	vadd.f32 v11, v6;
	v4 =	vadd.f32 v4, v7;
	v7 =	vld [tilespmem:s28+$0x9C00]  }
0x28c: {  	v11 =	vld [tilespmem:s2+$0x9400]  }
0x28d: {  	v6 =	vadd.f32 v10, v6;
	v4 =	vadd.f32 v9, v4;
	v9 =	vld [tilespmem:s28+$0x9D00]  }
0x28e: {  	v10 =	vld [tilespmem:s2+$0x9500]  }
0x28f: {  	v5 =	vadd.f32 v5, v6;
	v4 =	vadd.f32 v8, v4;
	v12 =	vld [tilespmem:s28+$0x9E00]  }
0x290: {  	v13 =	vld [tilespmem:s2+$0x9600]  }
.Ltmp7:
0x291: {  	v6 =	vadd.f32 v11, v5;
	v8 =	vadd.f32 v7, v4;
	v5 =	vld [tilespmem:s28+$0x9F00];
	(pc) =	sbr.rel @p0 .LBB2_16-.Ltmp7, $4  }
0x292: {  	v7 =	vld [tilespmem:s2+$0x9700]  }
0x293: {  	v10 =	vadd.f32 v10, v6;
	v4 =	vld [tilespmem:s2+$0x9900];
	v11 =	vadd.f32 v9, v8  }
0x294: {  	s29 =	sand.u32 $0xF0, s0;
	v8 =	vld [tilespmem:s2+$0x9800]  }
0x295: {  	s0 =	sadd.s32 $0x10, s0;
	v6 =	vld [tilespmem:s29+$0x9000];
	v9 =	vadd.f32 v13, v10;
	v10 =	vadd.f32 v12, v11  }
0x296: {  	v11 =	vld [tilespmem:s29+$0x9100]  }
0x297: {  	v12 =	vld [tilespmem:s2+$0x9A00];
	v5 =	vadd.f32 v5, v10  }
0x298: {  	v10 =	vld [tilespmem:s29+$0x9200]  }
0x299: {  	v13 =	vld [tilespmem:s2+$0x9B00];
	v7 =	vadd.f32 v7, v9;
	[tilespmem:s28+$0xC100] =	vst v5  }
0x29a: {  	v5 =	vld [tilespmem:s29+$0x9300]  }
0x29b: {  	v7 =	vadd.f32 v8, v7;
	v6 =	vadd.f32 v11, v6  }
0x29c: {  	v8 =	vld [tilespmem:s29+$0x9400]  }
0x29d: {  	v9 =	vld [tilespmem:s29+$0x9500];
	v4 =	vadd.f32 v4, v7;
	v6 =	vadd.f32 v10, v6  }
0x29e: {  	v7 =	vld [tilespmem:s2+$0x9C00]  }
0x29f: {  	v4 =	vadd.f32 v12, v4;
	v10 =	vld [tilespmem:s2+$0x9D00];
	v5 =	vadd.f32 v5, v6  }
0x2a0: {  	v6 =	vld [tilespmem:s29+$0x9600]  }
0x2a1: {  	v11 =	vld [tilespmem:s2+$0x9E00];
	v4 =	vadd.f32 v13, v4;
	v5 =	vadd.f32 v8, v5  }
0x2a2: {  	v8 =	vld [tilespmem:s29+$0x9700]  }
0x2a3: {  	v4 =	vadd.f32 v7, v4;
	v7 =	vld [tilespmem:s2+$0x9F00];
	v5 =	vadd.f32 v9, v5  }
0x2a4: {  	v9 =	vld [tilespmem:s29+$0x9800]  }
0x2a5: {  	v4 =	vadd.f32 v10, v4;
	v5 =	vadd.f32 v6, v5  }
0x2a6: {  	v6 =	vld [tilespmem:s29+$0x9900]  }
0x2a7: {  	v4 =	vadd.f32 v11, v4;
	v5 =	vadd.f32 v8, v5  }
0x2a8: {  	v8 =	vld [tilespmem:s29+$0x9A00]  }
0x2a9: {  	v4 =	vadd.f32 v7, v4;
	v5 =	vadd.f32 v9, v5  }
0x2aa: {  	v7 =	vld [tilespmem:s29+$0x9B00]  }
0x2ab: {  	[tilespmem:s2+$0xC100] =	vst v4;
	v4 =	vadd.f32 v6, v5  }
0x2ac: {  	v5 =	vld [tilespmem:s29+$0x9C00]  }
0x2ad: {  	v4 =	vadd.f32 v8, v4  }
0x2ae: {  	v6 =	vld [tilespmem:s29+$0x9D00]  }
0x2af: {  	v4 =	vadd.f32 v7, v4  }
0x2b0: {  	v7 =	vld [tilespmem:s29+$0x9E00]  }
0x2b1: {  	v4 =	vadd.f32 v5, v4  }
0x2b2: {  	v5 =	vld [tilespmem:s29+$0x9F00]  }
0x2b3: {  	v4 =	vadd.f32 v6, v4;
	_ =	sdelay $0x1  }
0x2b4: {  	v4 =	vadd.f32 v7, v4;
	_ =	sdelay $0x1  }
0x2b5: {  	v4 =	vadd.f32 v5, v4  }
0x2b6: {  	s0 =	simm.s32 $0x0  }
0x2b7: {  	[tilespmem:s29+$0xC100] =	vst v4;
	s29 =	sand.u32 $0xF0, s0  }
0x2b8: {  	v4 =	vld [tilespmem:s29+$0xA000]  }
0x2b9: {  	v5 =	vld [tilespmem:s29+$0xA100];
	_ =	sdelay $0x1  }
0x2ba: {  	v6 =	vld [tilespmem:s29+$0xA200];
	_ =	sdelay $0x1  }
0x2bb: {  	v7 =	vld [tilespmem:s29+$0xA300]  }
0x2bc: {  	v4 =	vadd.f32 v5, v4  }
0x2bd: {  	v5 =	vld [tilespmem:s29+$0xA400]  }
0x2be: {  	v4 =	vadd.f32 v6, v4  }
0x2bf: {  	v6 =	vld [tilespmem:s29+$0xA500]  }
0x2c0: {  	v4 =	vadd.f32 v7, v4  }
0x2c1: {  	v7 =	vld [tilespmem:s29+$0xA600]  }
0x2c2: {  	v4 =	vadd.f32 v5, v4  }
0x2c3: {  	s21 =	simm.s32 $0x10;
	v5 =	vld [tilespmem:s29+$0xA700]  }
0x2c4: {  	s28 =	sand.u32 $0xF0, s21;
	v8 =	vld [tilespmem:s29+$0xA800];
	v4 =	vadd.f32 v6, v4  }
0x2c5: {  	v9 =	vld [tilespmem:s28+$0xA000]  }
0x2c6: {  	v6 =	vld [tilespmem:s29+$0xA900];
	v4 =	vadd.f32 v7, v4  }
0x2c7: {  	v7 =	vld [tilespmem:s28+$0xA100]  }
0x2c8: {  	v10 =	vld [tilespmem:s28+$0xA200];
	v4 =	vadd.f32 v5, v4  }
0x2c9: {  	v5 =	vld [tilespmem:s29+$0xAA00]  }
0x2ca: {  	v11 =	vld [tilespmem:s28+$0xA300];
	v4 =	vadd.f32 v8, v4  }
0x2cb: {  	v8 =	vld [tilespmem:s29+$0xAB00]  }
0x2cc: {  	v7 =	vadd.f32 v7, v9;
	v9 =	vld [tilespmem:s28+$0xA400];
	v4 =	vadd.f32 v6, v4  }
0x2cd: {  	v6 =	vld [tilespmem:s29+$0xAC00]  }
0x2ce: {  	v62 =	vld [tilespmem:s28+$0xA500];
	v7 =	vadd.f32 v10, v7;
	v4 =	vadd.f32 v5, v4  }
0x2cf: {  	v10 =	vld [tilespmem:s29+$0xAD00]  }
0x2d0: {  	v63 =	vld [tilespmem:s28+$0xA600];
	v5 =	vadd.f32 v11, v7;
	v4 =	vadd.f32 v8, v4  }
0x2d1: {  	v11 =	vld [tilespmem:s29+$0xAE00]  }
0x2d2: {  	v7 =	vld [tilespmem:s28+$0xA700];
	v8 =	vadd.f32 v9, v5;
	v6 =	vadd.f32 v6, v4  }
0x2d3: {  	v5 =	vld [tilespmem:s29+$0xAF00]  }
0x2d4: {  	s2 =	simm.s32 $0x20;
	v4 =	vld [tilespmem:s28+$0xA900];
	v9 =	vadd.f32 v62, v8;
	v10 =	vadd.f32 v10, v6  }
0x2d5: {  	s31 =	sand.u32 $0xF0, s2;
	v8 =	vld [tilespmem:s28+$0xA800]  }
0x2d6: {  	s15 =	simm.s32 $0x30;
	s30 =	smov.u32 s28;
	s0 =	smov.u32 s29;
	v6 =	vld [tilespmem:s31+$0xA000];
	v9 =	vadd.f32 v63, v9;
	v10 =	vadd.f32 v11, v10  }
.LBB2_18:
0x2d7: {  	p0 =	sne.s32 s15, $0xF0;
	v11 =	vld [tilespmem:s31+$0xA100]  }
0x2d8: {  	v7 =	vadd.f32 v7, v9;
	v9 =	vld [tilespmem:s30+$0xAA00];
	v5 =	vadd.f32 v5, v10  }
0x2d9: {  	v10 =	vld [tilespmem:s31+$0xA200]  }
0x2da: {  	v7 =	vadd.f32 v8, v7;
	v8 =	vld [tilespmem:s30+$0xAB00];
	[tilespmem:s0+$0xC200] =	vst v5;
	s0 =	smov.u32 s30;
	s30 =	smov.u32 s31  }
0x2db: {  	v5 =	vld [tilespmem:s30+$0xA300]  }
0x2dc: {  	v6 =	vadd.f32 v11, v6;
	v4 =	vadd.f32 v4, v7;
	v7 =	vld [tilespmem:s0+$0xAC00]  }
0x2dd: {  	v11 =	vld [tilespmem:s30+$0xA400]  }
0x2de: {  	v6 =	vadd.f32 v10, v6;
	v4 =	vadd.f32 v9, v4;
	v9 =	vld [tilespmem:s0+$0xAD00]  }
0x2df: {  	v10 =	vld [tilespmem:s30+$0xA500]  }
0x2e0: {  	v5 =	vadd.f32 v5, v6;
	v4 =	vadd.f32 v8, v4;
	v12 =	vld [tilespmem:s0+$0xAE00]  }
0x2e1: {  	v13 =	vld [tilespmem:s30+$0xA600]  }
.Ltmp8:
0x2e2: {  	v6 =	vadd.f32 v11, v5;
	v8 =	vadd.f32 v7, v4;
	v5 =	vld [tilespmem:s0+$0xAF00];
	(pc) =	sbr.rel @p0 .LBB2_18-.Ltmp8, $4  }
0x2e3: {  	v7 =	vld [tilespmem:s30+$0xA700]  }
0x2e4: {  	v10 =	vadd.f32 v10, v6;
	v4 =	vld [tilespmem:s30+$0xA900];
	v11 =	vadd.f32 v9, v8  }
0x2e5: {  	s31 =	sand.u32 $0xF0, s15;
	v8 =	vld [tilespmem:s30+$0xA800]  }
0x2e6: {  	s15 =	sadd.s32 $0x10, s15;
	v6 =	vld [tilespmem:s31+$0xA000];
	v9 =	vadd.f32 v13, v10;
	v10 =	vadd.f32 v12, v11  }
0x2e7: {  	v11 =	vld [tilespmem:s31+$0xA100]  }
0x2e8: {  	v12 =	vld [tilespmem:s30+$0xAA00];
	v5 =	vadd.f32 v5, v10  }
0x2e9: {  	v10 =	vld [tilespmem:s31+$0xA200]  }
0x2ea: {  	v13 =	vld [tilespmem:s30+$0xAB00];
	v7 =	vadd.f32 v7, v9;
	[tilespmem:s0+$0xC200] =	vst v5  }
0x2eb: {  	v5 =	vld [tilespmem:s31+$0xA300]  }
0x2ec: {  	v7 =	vadd.f32 v8, v7;
	v6 =	vadd.f32 v11, v6  }
0x2ed: {  	v8 =	vld [tilespmem:s31+$0xA400]  }
0x2ee: {  	v9 =	vld [tilespmem:s31+$0xA500];
	v4 =	vadd.f32 v4, v7;
	v6 =	vadd.f32 v10, v6  }
0x2ef: {  	v7 =	vld [tilespmem:s30+$0xAC00]  }
0x2f0: {  	v4 =	vadd.f32 v12, v4;
	v10 =	vld [tilespmem:s30+$0xAD00];
	v5 =	vadd.f32 v5, v6  }
0x2f1: {  	v6 =	vld [tilespmem:s31+$0xA600]  }
0x2f2: {  	v11 =	vld [tilespmem:s30+$0xAE00];
	v4 =	vadd.f32 v13, v4;
	v5 =	vadd.f32 v8, v5  }
0x2f3: {  	v8 =	vld [tilespmem:s31+$0xA700]  }
0x2f4: {  	v4 =	vadd.f32 v7, v4;
	v7 =	vld [tilespmem:s30+$0xAF00];
	v5 =	vadd.f32 v9, v5  }
0x2f5: {  	v9 =	vld [tilespmem:s31+$0xA800]  }
0x2f6: {  	v4 =	vadd.f32 v10, v4;
	v5 =	vadd.f32 v6, v5  }
0x2f7: {  	v6 =	vld [tilespmem:s31+$0xA900]  }
0x2f8: {  	v4 =	vadd.f32 v11, v4;
	v5 =	vadd.f32 v8, v5  }
0x2f9: {  	v8 =	vld [tilespmem:s31+$0xAA00]  }
0x2fa: {  	v4 =	vadd.f32 v7, v4;
	v5 =	vadd.f32 v9, v5  }
0x2fb: {  	v7 =	vld [tilespmem:s31+$0xAB00]  }
0x2fc: {  	[tilespmem:s30+$0xC200] =	vst v4;
	v4 =	vadd.f32 v6, v5  }
0x2fd: {  	v5 =	vld [tilespmem:s31+$0xAC00]  }
0x2fe: {  	v4 =	vadd.f32 v8, v4  }
0x2ff: {  	v6 =	vld [tilespmem:s31+$0xAD00]  }
0x300: {  	v4 =	vadd.f32 v7, v4  }
0x301: {  	v7 =	vld [tilespmem:s31+$0xAE00]  }
0x302: {  	v4 =	vadd.f32 v5, v4  }
0x303: {  	v5 =	vld [tilespmem:s31+$0xAF00]  }
0x304: {  	v4 =	vadd.f32 v6, v4;
	_ =	sdelay $0x1  }
0x305: {  	v4 =	vadd.f32 v7, v4;
	_ =	sdelay $0x1  }
0x306: {  	v4 =	vadd.f32 v5, v4;
	_ =	sdelay $0x1  }
0x307: {  	[tilespmem:s31+$0xC200] =	vst v4  }
0x308: {  	v4 =	vld [tilespmem:s29+$0xB000]  }
0x309: {  	v5 =	vld [tilespmem:s29+$0xB100];
	_ =	sdelay $0x1  }
0x30a: {  	v6 =	vld [tilespmem:s29+$0xB200];
	_ =	sdelay $0x1  }
0x30b: {  	v7 =	vld [tilespmem:s29+$0xB300]  }
0x30c: {  	v4 =	vadd.f32 v5, v4  }
0x30d: {  	v5 =	vld [tilespmem:s29+$0xB400]  }
0x30e: {  	v4 =	vadd.f32 v6, v4  }
0x30f: {  	v6 =	vld [tilespmem:s29+$0xB500]  }
0x310: {  	v4 =	vadd.f32 v7, v4  }
0x311: {  	v7 =	vld [tilespmem:s29+$0xB600]  }
0x312: {  	v4 =	vadd.f32 v5, v4  }
0x313: {  	v5 =	vld [tilespmem:s29+$0xB700]  }
0x314: {  	v8 =	vld [tilespmem:s29+$0xB800];
	v4 =	vadd.f32 v6, v4  }
0x315: {  	v9 =	vld [tilespmem:s28+$0xB000]  }
0x316: {  	v6 =	vld [tilespmem:s29+$0xB900];
	v4 =	vadd.f32 v7, v4  }
0x317: {  	v7 =	vld [tilespmem:s28+$0xB100]  }
0x318: {  	v10 =	vld [tilespmem:s28+$0xB200];
	v4 =	vadd.f32 v5, v4  }
0x319: {  	v5 =	vld [tilespmem:s29+$0xBA00]  }
0x31a: {  	v11 =	vld [tilespmem:s28+$0xB300];
	v4 =	vadd.f32 v8, v4  }
0x31b: {  	v8 =	vld [tilespmem:s29+$0xBB00]  }
0x31c: {  	v7 =	vadd.f32 v7, v9;
	v9 =	vld [tilespmem:s28+$0xB400];
	v4 =	vadd.f32 v6, v4  }
0x31d: {  	v6 =	vld [tilespmem:s29+$0xBC00]  }
0x31e: {  	v7 =	vadd.f32 v10, v7;
	v10 =	vld [tilespmem:s28+$0xB500];
	v4 =	vadd.f32 v5, v4  }
0x31f: {  	v5 =	vld [tilespmem:s29+$0xBD00]  }
0x320: {  	v62 =	vld [tilespmem:s28+$0xB600];
	v7 =	vadd.f32 v11, v7;
	v4 =	vadd.f32 v8, v4  }
0x321: {  	v11 =	vld [tilespmem:s29+$0xBE00]  }
0x322: {  	v8 =	vadd.f32 v9, v7;
	v7 =	vld [tilespmem:s28+$0xB700];
	v9 =	vadd.f32 v6, v4  }
0x323: {  	v6 =	vld [tilespmem:s29+$0xBF00]  }
0x324: {  	v4 =	vld [tilespmem:s28+$0xB900];
	v10 =	vadd.f32 v10, v8;
	v63 =	vadd.f32 v5, v9  }
0x325: {  	s2 =	sand.u32 $0xF0, s2;
	v8 =	vld [tilespmem:s28+$0xB800]  }
0x326: {  	s0 =	simm.s32 $0x30;
	v5 =	vld [tilespmem:s2+$0xB000];
	v9 =	vadd.f32 v62, v10;
	v10 =	vadd.f32 v11, v63  }
.LBB2_20:
0x327: {  	p0 =	sne.s32 s0, $0xF0;
	v11 =	vld [tilespmem:s2+$0xB100]  }
0x328: {  	v7 =	vadd.f32 v7, v9;
	v9 =	vld [tilespmem:s28+$0xBA00];
	v6 =	vadd.f32 v6, v10  }
0x329: {  	v10 =	vld [tilespmem:s2+$0xB200]  }
0x32a: {  	v7 =	vadd.f32 v8, v7;
	v8 =	vld [tilespmem:s28+$0xBB00];
	[tilespmem:s29+$0xC300] =	vst v6;
	s29 =	smov.u32 s28;
	s28 =	smov.u32 s2  }
0x32b: {  	v6 =	vld [tilespmem:s28+$0xB300]  }
0x32c: {  	v5 =	vadd.f32 v11, v5;
	v4 =	vadd.f32 v4, v7;
	v7 =	vld [tilespmem:s29+$0xBC00]  }
0x32d: {  	v11 =	vld [tilespmem:s28+$0xB400]  }
0x32e: {  	v5 =	vadd.f32 v10, v5;
	v4 =	vadd.f32 v9, v4;
	v9 =	vld [tilespmem:s29+$0xBD00]  }
0x32f: {  	v10 =	vld [tilespmem:s28+$0xB500]  }
0x330: {  	v5 =	vadd.f32 v6, v5;
	v4 =	vadd.f32 v8, v4;
	v12 =	vld [tilespmem:s29+$0xBE00]  }
0x331: {  	v13 =	vld [tilespmem:s28+$0xB600]  }
.Ltmp9:
0x332: {  	v5 =	vadd.f32 v11, v5;
	v8 =	vadd.f32 v7, v4;
	v6 =	vld [tilespmem:s29+$0xBF00];
	(pc) =	sbr.rel @p0 .LBB2_20-.Ltmp9, $4  }
0x333: {  	v7 =	vld [tilespmem:s28+$0xB700]  }
0x334: {  	v10 =	vadd.f32 v10, v5;
	v4 =	vld [tilespmem:s28+$0xB900];
	v11 =	vadd.f32 v9, v8  }
0x335: {  	s2 =	sand.u32 $0xF0, s0;
	v8 =	vld [tilespmem:s28+$0xB800]  }
0x336: {  	s0 =	sadd.s32 $0x10, s0;
	v5 =	vld [tilespmem:s2+$0xB000];
	v9 =	vadd.f32 v13, v10;
	v10 =	vadd.f32 v12, v11  }
0x337: {  	v11 =	vld [tilespmem:s2+$0xB100]  }
0x338: {  	v12 =	vld [tilespmem:s28+$0xBA00];
	v6 =	vadd.f32 v6, v10  }
0x339: {  	v49 =	vld [tilespmem:s2+$0xB200]  }
0x33a: {  	v13 =	vld [tilespmem:s28+$0xBB00];
	v7 =	vadd.f32 v7, v9;
	[tilespmem:s29+$0xC300] =	vst v6  }
0x33b: {  	v6 =	vld [tilespmem:s2+$0xB300]  }
0x33c: {  	v7 =	vadd.f32 v8, v7;
	v5 =	vadd.f32 v11, v5  }
0x33d: {  	v50 =	vld [tilespmem:s2+$0xB400]  }
0x33e: {  	v51 =	vld [tilespmem:s28+$0xBC00];
	v4 =	vadd.f32 v4, v7;
	v5 =	vadd.f32 v49, v5  }
0x33f: {  	v52 =	vld [tilespmem:s2+$0xB500]  }
0x340: {  	v53 =	vld [tilespmem:s28+$0xBD00];
	v4 =	vadd.f32 v12, v4;
	v5 =	vadd.f32 v6, v5  }
0x341: {  	v54 =	vld [tilespmem:s2+$0xB600]  }
0x342: {  	v55 =	vld [tilespmem:s28+$0xBE00];
	v4 =	vadd.f32 v13, v4;
	v5 =	vadd.f32 v50, v5  }
0x343: {  	v56 =	vld [tilespmem:s2+$0xB700]  }
0x344: {  	v57 =	vld [tilespmem:s28+$0xBF00];
	v4 =	vadd.f32 v51, v4;
	v5 =	vadd.f32 v52, v5  }
0x345: {  	v58 =	vld [tilespmem:s2+$0xB800]  }
0x346: {  	v4 =	vadd.f32 v53, v4;
	v5 =	vadd.f32 v54, v5  }
0x347: {  	v59 =	vld [tilespmem:s2+$0xB900]  }
0x348: {  	v4 =	vadd.f32 v55, v4;
	v5 =	vadd.f32 v56, v5  }
0x349: {  	v60 =	vld [tilespmem:s2+$0xBA00]  }
0x34a: {  	v4 =	vadd.f32 v57, v4;
	v5 =	vadd.f32 v58, v5  }
0x34b: {  	v61 =	vld [tilespmem:s2+$0xBB00]  }
0x34c: {  	[tilespmem:s28+$0xC300] =	vst v4;
	v4 =	vadd.f32 v59, v5  }
0x34d: {  	v5 =	vld [tilespmem:s2+$0xBC00]  }
0x34e: {  	v4 =	vadd.f32 v60, v4  }
0x34f: {  	v62 =	vld [tilespmem:s2+$0xBD00]  }
0x350: {  	v4 =	vadd.f32 v61, v4  }
0x351: {  	v63 =	vld [tilespmem:s2+$0xBE00]  }
0x352: {  	v4 =	vadd.f32 v5, v4  }
0x353: {  	v5 =	vld [tilespmem:s2+$0xBF00]  }
0x354: {  	v4 =	vadd.f32 v62, v4;
	_ =	sdelay $0x1  }
0x355: {  	v4 =	vadd.f32 v63, v4;
	_ =	sdelay $0x1  }
0x356: {  	v4 =	vadd.f32 v5, v4;
	_ =	sdelay $0x1  }
0x357: {  	s0 =	simm.s32 $0xC000;
	[tilespmem:s2+$0xC300] =	vst v4  }
0x358: {  	[hbm4b:s10+s4] =	stream.linear.scatter [tilespmem:s0], [sflag:$0x3], $0x100, $0x38;
	[tilespmem:$0xC400] =	vst v63  }
0x359: {  	_ =	swait.ge [sflag:s22], $0x100  }
0x35a: {  	[sflag:s22] =	ssyncset.done $0x0  }
0x35b: {  	[sflag:s22] =	ssyncadd.s32 $0xFFFFFF00  }
0x35c: {  	[hbm4b:s11+s4] =	stream.linear.scatter [tilespmem:s23], [sflag:$0x3], $0x100, $0x38;
	[tilespmem:$0xC400] =	vst v63  }
0x35d: {  	_ =	swait.ge [sflag:s22], $0x100  }
0x35e: {  	[sflag:s22] =	ssyncset.done $0x0  }
0x35f: {  	[sflag:s22] =	ssyncadd.s32 $0xFFFFFF00  }
0x360: {  	[hbm4b:s12+s4] =	stream.linear.scatter [tilespmem:s24], [sflag:$0x3], $0x100, $0x38;
	[tilespmem:$0xC400] =	vst v63  }
0x361: {  	s26 =	sadd.s32 $0x1, s26;
	_ =	swait.ge [sflag:s22], $0x100  }
0x362: {  	p0 =	sne.s32 s26, s14;
	[sflag:s22] =	ssyncset.done $0x0  }
.Ltmp10:
0x363: {  	[sflag:s22] =	ssyncadd.s32 $0xFFFFFF00;
	(pc) =	sbr.rel @p0 .LBB2_1-.Ltmp10, $4  }
0x364: {  	[hbm4b:s13+s4] =	stream.linear.scatter [tilespmem:s25], [sflag:$0x3], $0x100, $0x38;
	[tilespmem:$0xC400] =	vst v63  }
0x365: {  	_ =	swait.ge [sflag:s22], $0x100  }
0x366: {  	[sflag:s22] =	ssyncset.done $0x0  }
0x367: {  	[sflag:s22] =	ssyncadd.s32 $0xFFFFFF00  }
0x368: {  	_ =	sfence.sel $0x180000  }
0x369: {  	[bflag:$0x0] =	sbarrier.arrive $0xFFFF  }
0x36a: {  	_ =	strace $0x90000047  }
0x36b: {  	s0 =	stileid.u32;
	[bflag:$0x2] =	sbarrier.arrive $0xFFFF  }
0x36c: {  	p0 =	sne.s32 s0, $0x0;
	s0 =	rddreg [dreg:$0x3]  }
0x36d: {  	s0 =	sadd.s32 @!p0 $0x100000, s0  }
0x36e: {  	[sflag:s0] =	ssyncadd.tile.s32 @!p0 $0x1;
	_ =	shalt  }
.Lfunc_end2:
_tile_overlayer_lowered:
.L_overlay_start_2:
0x36f: {  	(tag) =	ssettag $0x2  }
0x370: {  	s0 =	rddreg [dreg:$0x0];
	s2 =	stileid.u32  }
0x371: {  	s1 =	rddreg [dreg:$0x1];
	p0 =	sne.s32 s2, $0x0  }
0x372: {  	s3 =	rddreg [dreg:$0x2];
	[bflag:$0x3] =	sbarrier.arrive $0xFFFF;
	s2 =	simm.s32 @!p0 $0x1C03  }
0x373: {  	[timem:s3], [sflag:s2] =	dma.local @!p0 [hbm:s0], s1  }
0x374: {  	s0 =	simm.s32 @!p0 $0x3  }
0x375: {  	_ =	swait.ge @!p0 [sflag:s0], s1  }
0x376: {  	s1 =	ssub.s32 @!p0 $0x0, s1;
	[sflag:s0] =	ssyncset.done @!p0 $0x0  }
0x377: {  	[sflag:s0] =	ssyncadd.s32 @!p0 s1  }
0x378: {  	[bflag:$0x3] =	sbarrier.arrive $0xFFFF  }
0x379: {  	_ =	shalt  }

</sc_bundles>
